<compile_context>
chip_gen: v7x
topology: tpu7x:2x2x1
jax: 0.10.2.dev20260603
libtpu: 0.0.44.dev20260713+nightly
codegen_flags: <defaults>
</compile_context>

<pallas_src>
import functools

import jax
import jax.numpy as jnp
from jax import lax
from jax.experimental import pallas as pl
from jax.experimental.pallas import tpu as pltpu
from jax.experimental.pallas import tpu_sc as plsc

BATCH = 4096
SEQ_LEN = 200
EMB = 64

NUM_CORES = 2
NUM_SUBCORES = 16
NUM_WORKERS = NUM_CORES * NUM_SUBCORES

TOTAL = BATCH * SEQ_LEN
PER_WORKER = TOTAL // NUM_WORKERS
CHUNK = 128
CHUNKS_PER_WORKER = PER_WORKER // CHUNK
BG = BATCH // CHUNK
NBUF = 2
PREFETCH = 2

_LANE = 16
_CG = EMB // 8
_PITCH = CHUNK + 1


def _make_kernel():
    mesh = plsc.VectorSubcoreMesh(core_axis_name="c", subcore_axis_name="s")

    @functools.partial(
        pl.kernel,
        out_type=jax.ShapeDtypeStruct((SEQ_LEN, _CG, BG, 8, CHUNK), jnp.float32),
        mesh=mesh,
        scratch_types=[
            pltpu.VMEM((PER_WORKER,), jnp.int32),
            pltpu.VMEM((NBUF, CHUNK, 2 * EMB), jnp.float32),
            pltpu.VMEM((NBUF, EMB, _PITCH), jnp.float32),
            pltpu.VMEM((SEQ_LEN, EMB), jnp.float32),
            [pltpu.SemaphoreType.DMA] * NBUF,
            [pltpu.SemaphoreType.DMA] * NBUF,
        ],
        compiler_params=pltpu.CompilerParams(
            use_tc_tiling_on_sc=False, needs_layout_passes=False),
    )
    def emb_kernel(idx_hbm, wt_hbm, pos_hbm, out_hbm,
                   idx_v, rows_v, outt_v, pos_v, g_sems, o_sems):
        wid = lax.axis_index("s") * NUM_CORES + lax.axis_index("c")
        base = wid * PER_WORKER
        kbase = wid * CHUNKS_PER_WORKER

        pltpu.sync_copy(idx_hbm.at[pl.ds(base, PER_WORKER)], idx_v)
        pltpu.sync_copy(pos_hbm, pos_v)

        def start_gather(g, b):
            pltpu.async_copy(wt_hbm.at[idx_v.at[pl.ds(g * CHUNK, CHUNK)]],
                             rows_v.at[b], g_sems[b])

        def writeback(b, l, bg, issue):
            for cg in range(_CG):
                cp = pltpu.make_async_copy(
                    outt_v.at[b, pl.ds(cg * 8, 8), pl.ds(0, CHUNK)],
                    out_hbm.at[l, cg, bg], o_sems[b])
                if issue:
                    cp.start()
                else:
                    cp.wait()

        for b in range(PREFETCH):
            start_gather(b, b)

        @pl.loop(0, CHUNKS_PER_WORKER, step=NBUF)
        def _block(k):
            for b in range(NBUF):
                g = k + b
                kk = kbase + g
                l = kk // BG
                bg = lax.rem(kk, BG)

                pltpu.make_async_copy(
                    wt_hbm.at[idx_v.at[pl.ds(g * CHUNK, CHUNK)]],
                    rows_v.at[b], g_sems[b]).wait()

                @pl.when(g >= NBUF)
                def _():
                    kp = kbase + g - NBUF
                    writeback(b, kp // BG, lax.rem(kp, BG), issue=False)

                outt2d = outt_v.at[b]
                iota = lax.iota(jnp.int32, _LANE)
                pvs = [pos_v[l, pl.ds(s * _LANE, _LANE)] for s in range(4)]

                @functools.partial(plsc.parallel_loop, 0, CHUNK, unroll=4)
                def _row(j):
                    jidx = jnp.full((_LANE,), j, dtype=jnp.int32)
                    for s in range(4):
                        sl = pl.ds(s * _LANE, _LANE)
                        vec = rows_v[b, j, sl] + pvs[s]
                        plsc.store_scatter(outt2d,
                                           [iota + s * _LANE, jidx], vec)

                writeback(b, l, bg, issue=True)

                t = g + PREFETCH

                @pl.when(t < CHUNKS_PER_WORKER)
                def _():
                    start_gather(t, (b + PREFETCH) % NBUF)

        for g in range(CHUNKS_PER_WORKER - NBUF, CHUNKS_PER_WORKER):
            b = g % NBUF
            kk = kbase + g
            writeback(b, kk // BG, lax.rem(kk, BG), issue=False)

    return emb_kernel


def kernel(inputs, word_table, pos_table):
    idx_t_flat = inputs.T.reshape(TOTAL).astype(jnp.int32)
    wt_pad = jnp.pad(word_table, ((0, 0), (0, EMB)))
    out5d = _make_kernel()(idx_t_flat, wt_pad, pos_table)
    return out5d.transpose((2, 4, 0, 1, 3)).reshape(BATCH, SEQ_LEN, EMB)

# --- scband reference (transcript-rebuilt; emitter-appended) ---
"""Pipeline reference for scband-position-embedding-random-layer-87067577024837 (READ-ONLY COPY).

The authoritative reference and input builder live on the scoring server;
editing this copy changes nothing except your own understanding.
"""

import jax, jax.numpy as jnp
import numpy as np

BATCH = 4096
SEQ_LEN = 200
VOCAB = 1000000
EMB = 64

def setup_inputs(seed: int = 0) -> dict:
    key = jax.random.key(seed)
    k_idx, k_word, k_pos = jax.random.split(key, 3)
    inputs = jax.random.randint(k_idx, (BATCH, SEQ_LEN), 0, VOCAB, dtype=jnp.int64 if jax.config.jax_enable_x64 else jnp.int32)
    word_table = jax.random.normal(k_word, (VOCAB, EMB), dtype=jnp.float32) * 0.05
    pos_table = jax.random.normal(k_pos, (SEQ_LEN, EMB), dtype=jnp.float32) * 0.05
    return {"inputs": inputs, "word_table": word_table, "pos_table": pos_table}

def reference(inputs, word_table, pos_table):
    # pos_idxs = range(0, inputs.shape[-1])
    pos_idxs = jnp.arange(inputs.shape[-1])
    pos_emb = jnp.take(pos_table, pos_idxs, axis=0)           # [L, D]
    word_emb = jnp.take(word_table, inputs, axis=0)           # [B, L, D]
    return word_emb + pos_emb[None, :, :]

if __name__ == "__main__":
    import jax
    _d = setup_inputs()
    print(jax.jit(kernel)(*tuple(_d.values())))

</pallas_src>

<mosaic_0001>
#map = affine_map<(d0, d1) -> (0)>
#map1 = affine_map<(d0, d1) -> (0, 0)>
#map2 = affine_map<(d0, d1) -> (0, 0, 0, 0, 0)>
module attributes {stable_mosaic.version = 14 : i64} {
  func.func @emb_kernel(%arg0: i32, %arg1: i32, %arg2: memref<819200xi32, #tpu.memory_space<hbm>>, %arg3: memref<1000000x128xf32, #tpu.memory_space<hbm>>, %arg4: memref<200x64xf32, #tpu.memory_space<hbm>>, %arg5: memref<200x8x32x8x128xf32, #tpu.memory_space<hbm>>, %arg6: memref<25600xi32, #tpu.memory_space<vmem>>, %arg7: memref<2x128x128xf32, #tpu.memory_space<vmem>>, %arg8: memref<2x64x129xf32, #tpu.memory_space<vmem>>, %arg9: memref<200x64xf32, #tpu.memory_space<vmem>>, %arg10: memref<!tpu.dma_semaphore, #tpu.memory_space<semaphore_mem>>, %arg11: memref<!tpu.dma_semaphore, #tpu.memory_space<semaphore_mem>>, %arg12: memref<!tpu.dma_semaphore, #tpu.memory_space<semaphore_mem>>, %arg13: memref<!tpu.dma_semaphore, #tpu.memory_space<semaphore_mem>>) attributes {dimension_semantics = [#tpu.dimension_semantics<core_parallel>, #tpu.dimension_semantics<subcore_parallel>], iteration_bounds = array<i64: 2, 16>, scalar_prefetch = 0 : i64, scratch_operands = 8 : i64, tpu.core_type = #tpu.core_type<sc_vector_subcore>, window_params = [{transform_indices = #map}, {transform_indices = #map1}, {transform_indices = #map1}, {transform_indices = #map2}]} {
    %mul3A = arith.constant 2 : i32
    %mul3A_0 = arith.muli %arg1, %mul3A : i32
    %add3A = arith.addi %mul3A_0, %arg0 : i32
    %mul3A_1 = arith.constant 25600 : i32
    %mul3A_2 = arith.muli %add3A, %mul3A_1 : i32
    %mul3A_3 = arith.constant 200 : i32
    %mul3A_4 = arith.muli %add3A, %mul3A_3 : i32
    "tpu.region"() ({
      %run_scoped3A = tpu.sem_alloc : memref<!tpu.dma_semaphore, #tpu.memory_space<semaphore_mem>>
      %dma_start3A_363 = tpu.memref_slice %arg2[%mul3A_2] : memref<819200xi32, #tpu.memory_space<hbm>> -> memref<25600xi32, #tpu.memory_space<hbm>>
      %dma_start3A_364 = tpu.memref_slice %arg2[%mul3A_2] : memref<819200xi32, #tpu.memory_space<hbm>> -> memref<25600xi32, #tpu.memory_space<hbm>>
      tpu.enqueue_dma source(%dma_start3A_364 : memref<25600xi32, #tpu.memory_space<hbm>>) target(%arg6 : memref<25600xi32, #tpu.memory_space<vmem>>) target_semaphore(%run_scoped3A : memref<!tpu.dma_semaphore, #tpu.memory_space<semaphore_mem>>)
      %dma_wait3A_365 = tpu.memref_slice %arg2[%mul3A_2] : memref<819200xi32, #tpu.memory_space<hbm>> -> memref<25600xi32, #tpu.memory_space<hbm>>
      %dma_wait3A_366 = tpu.memref_slice %arg2[%mul3A_2] : memref<819200xi32, #tpu.memory_space<hbm>> -> memref<25600xi32, #tpu.memory_space<hbm>>
      tpu.wait_dma2 semaphore(%run_scoped3A : memref<!tpu.dma_semaphore, #tpu.memory_space<semaphore_mem>>) src(%dma_wait3A_366 : memref<25600xi32, #tpu.memory_space<hbm>>) dst(%arg6 : memref<25600xi32, #tpu.memory_space<vmem>>)
      tpu.yield
    }) : () -> ()
    "tpu.region"() ({
      %run_scoped3A = tpu.sem_alloc : memref<!tpu.dma_semaphore, #tpu.memory_space<semaphore_mem>>
      tpu.enqueue_dma source(%arg4 : memref<200x64xf32, #tpu.memory_space<hbm>>) target(%arg9 : memref<200x64xf32, #tpu.memory_space<vmem>>) target_semaphore(%run_scoped3A : memref<!tpu.dma_semaphore, #tpu.memory_space<semaphore_mem>>)
      tpu.wait_dma2 semaphore(%run_scoped3A : memref<!tpu.dma_semaphore, #tpu.memory_space<semaphore_mem>>) src(%arg4 : memref<200x64xf32, #tpu.memory_space<hbm>>) dst(%arg9 : memref<200x64xf32, #tpu.memory_space<vmem>>)
      tpu.yield
    }) : () -> ()
    %dma_start3A = arith.constant 0 : i32
    %dma_start3A_5 = arith.constant 0 : i32
    %dma_start3A_6 = arith.constant 0 : i32
    %dma_start3A_7 = tpu.memref_slice %arg7[%dma_start3A, %dma_start3A_5, %dma_start3A_6] : memref<2x128x128xf32, #tpu.memory_space<vmem>> -> memref<1x128x128xf32, #tpu.memory_space<vmem>>
    %dma_start3A_8 = tpu.memref_squeeze %dma_start3A_7 : memref<1x128x128xf32, #tpu.memory_space<vmem>> -> memref<128x128xf32, #tpu.memory_space<vmem>>
    %dma_start3A_9 = arith.constant 0 : i32
    %dma_start3A_10 = tpu.memref_slice %arg6[%dma_start3A_9] : memref<25600xi32, #tpu.memory_space<vmem>> -> memref<128xi32, #tpu.memory_space<vmem>>
    %dma_start3A_11 = arith.constant 0 : i32
    %dma_start3A_12 = arith.constant 0 : i32
    %dma_start3A_13 = tpu.memref_slice %arg3[%dma_start3A_11, %dma_start3A_12] : memref<1000000x128xf32, #tpu.memory_space<hbm>> -> memref<1000000x128xf32, #tpu.memory_space<hbm>>
    tpu.enqueue_indirect_dma source(%dma_start3A_13 : memref<1000000x128xf32, #tpu.memory_space<hbm>>) target(%dma_start3A_8 : memref<128x128xf32, #tpu.memory_space<vmem>>) offsets(%dma_start3A_10 : memref<128xi32, #tpu.memory_space<vmem>>) semaphore(%arg10 : memref<!tpu.dma_semaphore, #tpu.memory_space<semaphore_mem>>)
    %dma_start3A_14 = arith.constant 1 : i32
    %dma_start3A_15 = arith.constant 0 : i32
    %dma_start3A_16 = arith.constant 0 : i32
    %dma_start3A_17 = tpu.memref_slice %arg7[%dma_start3A_14, %dma_start3A_15, %dma_start3A_16] : memref<2x128x128xf32, #tpu.memory_space<vmem>> -> memref<1x128x128xf32, #tpu.memory_space<vmem>>
    %dma_start3A_18 = tpu.memref_squeeze %dma_start3A_17 : memref<1x128x128xf32, #tpu.memory_space<vmem>> -> memref<128x128xf32, #tpu.memory_space<vmem>>
    %dma_start3A_19 = arith.constant 128 : i32
    %dma_start3A_20 = tpu.memref_slice %arg6[%dma_start3A_19] : memref<25600xi32, #tpu.memory_space<vmem>> -> memref<128xi32, #tpu.memory_space<vmem>>
    %dma_start3A_21 = arith.constant 0 : i32
    %dma_start3A_22 = arith.constant 0 : i32
    %dma_start3A_23 = tpu.memref_slice %arg3[%dma_start3A_21, %dma_start3A_22] : memref<1000000x128xf32, #tpu.memory_space<hbm>> -> memref<1000000x128xf32, #tpu.memory_space<hbm>>
    tpu.enqueue_indirect_dma source(%dma_start3A_23 : memref<1000000x128xf32, #tpu.memory_space<hbm>>) target(%dma_start3A_18 : memref<128x128xf32, #tpu.memory_space<vmem>>) offsets(%dma_start3A_20 : memref<128xi32, #tpu.memory_space<vmem>>) semaphore(%arg11 : memref<!tpu.dma_semaphore, #tpu.memory_space<semaphore_mem>>)
    %scan3A = arith.constant 0 : i32
    %scan3A_24 = arith.constant 100 : i32
    %scan3A_25 = arith.addi %scan3A, %scan3A_24 : i32
    %scan3A_26 = arith.constant 1 : i32
    scf.for %scan3A_363 = %scan3A to %scan3A_25 step %scan3A_26  : i32 {
      %mul3A_364 = arith.constant 2 : i32
      %mul3A_365 = arith.muli %scan3A_363, %mul3A_364 : i32
      %add3A_366 = arith.constant 0 : i32
      %add3A_367 = arith.addi %add3A_366, %mul3A_365 : i32
      %add3A_368 = arith.constant 0 : i32
      %add3A_369 = arith.addi %add3A_367, %add3A_368 : i32
      %add3A_370 = arith.addi %mul3A_4, %add3A_369 : i32
      %jit3A_371 = arith.constant 32 : i32
      %div3A_372 = arith.divsi %add3A_370, %jit3A_371 : i32
      %sign3A_373 = arith.constant 0 : i32
      %sign3A_374 = arith.cmpi sgt, %add3A_370, %sign3A_373 : i32
      %sign3A_375 = arith.extui %sign3A_374 : i1 to i32
      %sign3A_376 = arith.constant 0 : i32
      %sign3A_377 = arith.cmpi slt, %add3A_370, %sign3A_376 : i32
      %sign3A_378 = arith.extui %sign3A_377 : i1 to i32
      %sign3A_379 = arith.subi %sign3A_375, %sign3A_378 : i32
      %sign3A_380 = arith.constant 0 : i32
      %sign3A_381 = arith.cmpi sgt, %jit3A_371, %sign3A_380 : i32
      %sign3A_382 = arith.extui %sign3A_381 : i1 to i32
      %sign3A_383 = arith.constant 0 : i32
      %sign3A_384 = arith.cmpi slt, %jit3A_371, %sign3A_383 : i32
      %sign3A_385 = arith.extui %sign3A_384 : i1 to i32
      %sign3A_386 = arith.subi %sign3A_382, %sign3A_385 : i32
      %ne3A_387 = arith.cmpi ne, %sign3A_379, %sign3A_386 : i32
      %rem3A_388 = arith.remsi %add3A_370, %jit3A_371 : i32
      %ne3A_389 = arith.constant 0 : i32
      %ne3A_390 = arith.cmpi ne, %rem3A_388, %ne3A_389 : i32
      %and3A_391 = arith.andi %ne3A_387, %ne3A_390 : i1
      %sub3A_392 = arith.constant 1 : i32
      %sub3A_393 = arith.subi %div3A_372, %sub3A_392 : i32
      %select_n3A_394 = arith.select %and3A_391, %sub3A_393, %div3A_372 : i32
      %rem3A_395 = arith.constant 32 : i32
      %rem3A_396 = arith.remsi %add3A_370, %rem3A_395 : i32
      %mul3A_397 = arith.constant 128 : i32
      %mul3A_398 = arith.muli %add3A_369, %mul3A_397 : i32
      %dma_wait3A_399 = arith.constant 0 : i32
      %dma_wait3A_400 = arith.constant 0 : i32
      %dma_wait3A_401 = arith.constant 0 : i32
      %dma_wait3A_402 = tpu.memref_slice %arg7[%dma_wait3A_399, %dma_wait3A_400, %dma_wait3A_401] : memref<2x128x128xf32, #tpu.memory_space<vmem>> -> memref<1x128x128xf32, #tpu.memory_space<vmem>>
      %dma_wait3A_403 = tpu.memref_squeeze %dma_wait3A_402 : memref<1x128x128xf32, #tpu.memory_space<vmem>> -> memref<128x128xf32, #tpu.memory_space<vmem>>
      %dma_wait3A_404 = tpu.memref_slice %arg6[%mul3A_398] : memref<25600xi32, #tpu.memory_space<vmem>> -> memref<128xi32, #tpu.memory_space<vmem>>
      %dma_wait3A_405 = arith.constant 0 : i32
      %dma_wait3A_406 = arith.constant 0 : i32
      %dma_wait3A_407 = tpu.memref_slice %arg3[%dma_wait3A_405, %dma_wait3A_406] : memref<1000000x128xf32, #tpu.memory_space<hbm>> -> memref<1000000x128xf32, #tpu.memory_space<hbm>>
      tpu.wait_indirect_dma semaphore(%arg10 : memref<!tpu.dma_semaphore, #tpu.memory_space<semaphore_mem>>) src(%dma_wait3A_407 : memref<1000000x128xf32, #tpu.memory_space<hbm>>) dst(%dma_wait3A_403 : memref<128x128xf32, #tpu.memory_space<vmem>>)
      %ge3A = arith.constant 2 : i32
      %ge3A_408 = arith.cmpi sge, %add3A_369, %ge3A : i32
      %convert_element_type3A = arith.extui %ge3A_408 : i1 to i32
      %cond3A = arith.constant 0 : i32
      %cond3A_409 = arith.cmpi ne, %convert_element_type3A, %cond3A : i32
      scf.if %cond3A_409 {
        %add3A_780 = arith.addi %mul3A_4, %add3A_369 : i32
        %sub3A_781 = arith.constant 2 : i32
        %sub3A_782 = arith.subi %add3A_780, %sub3A_781 : i32
        %jit3A_783 = arith.constant 32 : i32
        %div3A_784 = arith.divsi %sub3A_782, %jit3A_783 : i32
        %sign3A_785 = arith.constant 0 : i32
        %sign3A_786 = arith.cmpi sgt, %sub3A_782, %sign3A_785 : i32
        %sign3A_787 = arith.extui %sign3A_786 : i1 to i32
        %sign3A_788 = arith.constant 0 : i32
        %sign3A_789 = arith.cmpi slt, %sub3A_782, %sign3A_788 : i32
        %sign3A_790 = arith.extui %sign3A_789 : i1 to i32
        %sign3A_791 = arith.subi %sign3A_787, %sign3A_790 : i32
        %sign3A_792 = arith.constant 0 : i32
        %sign3A_793 = arith.cmpi sgt, %jit3A_783, %sign3A_792 : i32
        %sign3A_794 = arith.extui %sign3A_793 : i1 to i32
        %sign3A_795 = arith.constant 0 : i32
        %sign3A_796 = arith.cmpi slt, %jit3A_783, %sign3A_795 : i32
        %sign3A_797 = arith.extui %sign3A_796 : i1 to i32
        %sign3A_798 = arith.subi %sign3A_794, %sign3A_797 : i32
        %ne3A_799 = arith.cmpi ne, %sign3A_791, %sign3A_798 : i32
        %rem3A_800 = arith.remsi %sub3A_782, %jit3A_783 : i32
        %ne3A_801 = arith.constant 0 : i32
        %ne3A_802 = arith.cmpi ne, %rem3A_800, %ne3A_801 : i32
        %and3A_803 = arith.andi %ne3A_799, %ne3A_802 : i1
        %sub3A_804 = arith.constant 1 : i32
        %sub3A_805 = arith.subi %div3A_784, %sub3A_804 : i32
        %select_n3A_806 = arith.select %and3A_803, %sub3A_805, %div3A_784 : i32
        %rem3A_807 = arith.constant 32 : i32
        %rem3A_808 = arith.remsi %sub3A_782, %rem3A_807 : i32
        %dma_wait3A_809 = arith.constant 0 : i32
        %dma_wait3A_810 = arith.constant 0 : i32
        %dma_wait3A_811 = arith.constant 0 : i32
        %dma_wait3A_812 = arith.constant 0 : i32
        %dma_wait3A_813 = tpu.memref_slice %arg8[%dma_wait3A_809, %dma_wait3A_811, %dma_wait3A_812] : memref<2x64x129xf32, #tpu.memory_space<vmem>> -> memref<1x8x128xf32, #tpu.memory_space<vmem>>
        %dma_wait3A_814 = tpu.memref_squeeze %dma_wait3A_813 : memref<1x8x128xf32, #tpu.memory_space<vmem>> -> memref<8x128xf32, #tpu.memory_space<vmem>>
        %dma_wait3A_815 = arith.constant 0 : i32
        %dma_wait3A_816 = arith.constant 0 : i32
        %dma_wait3A_817 = tpu.memref_slice %arg5[%select_n3A_806, %dma_wait3A_810, %rem3A_808, %dma_wait3A_815, %dma_wait3A_816] : memref<200x8x32x8x128xf32, #tpu.memory_space<hbm>> -> memref<1x1x1x8x128xf32, #tpu.memory_space<hbm>>
        %dma_wait3A_818 = tpu.memref_squeeze %dma_wait3A_817 : memref<1x1x1x8x128xf32, #tpu.memory_space<hbm>> -> memref<8x128xf32, #tpu.memory_space<hbm>>
        %dma_wait3A_819 = arith.constant 0 : i32
        %dma_wait3A_820 = arith.constant 0 : i32
        %dma_wait3A_821 = tpu.memref_slice %arg5[%select_n3A_806, %dma_wait3A_810, %rem3A_808, %dma_wait3A_819, %dma_wait3A_820] : memref<200x8x32x8x128xf32, #tpu.memory_space<hbm>> -> memref<1x1x1x8x128xf32, #tpu.memory_space<hbm>>
        %dma_wait3A_822 = tpu.memref_squeeze %dma_wait3A_821 : memref<1x1x1x8x128xf32, #tpu.memory_space<hbm>> -> memref<8x128xf32, #tpu.memory_space<hbm>>
        %dma_wait3A_823 = arith.constant 0 : i32
        %dma_wait3A_824 = arith.constant 0 : i32
        %dma_wait3A_825 = tpu.memref_slice %arg8[%dma_wait3A_809, %dma_wait3A_823, %dma_wait3A_824] : memref<2x64x129xf32, #tpu.memory_space<vmem>> -> memref<1x8x128xf32, #tpu.memory_space<vmem>>
        %dma_wait3A_826 = tpu.memref_squeeze %dma_wait3A_825 : memref<1x8x128xf32, #tpu.memory_space<vmem>> -> memref<8x128xf32, #tpu.memory_space<vmem>>
        tpu.wait_dma2 semaphore(%arg12 : memref<!tpu.dma_semaphore, #tpu.memory_space<semaphore_mem>>) src(%dma_wait3A_826 : memref<8x128xf32, #tpu.memory_space<vmem>>) dst(%dma_wait3A_822 : memref<8x128xf32, #tpu.memory_space<hbm>>)
        %dma_wait3A_827 = arith.constant 0 : i32
        %dma_wait3A_828 = arith.constant 1 : i32
        %dma_wait3A_829 = arith.constant 8 : i32
        %dma_wait3A_830 = arith.constant 0 : i32
        %dma_wait3A_831 = tpu.memref_slice %arg8[%dma_wait3A_827, %dma_wait3A_829, %dma_wait3A_830] : memref<2x64x129xf32, #tpu.memory_space<vmem>> -> memref<1x8x128xf32, #tpu.memory_space<vmem>>
        %dma_wait3A_832 = tpu.memref_squeeze %dma_wait3A_831 : memref<1x8x128xf32, #tpu.memory_space<vmem>> -> memref<8x128xf32, #tpu.memory_space<vmem>>
        %dma_wait3A_833 = arith.constant 0 : i32
        %dma_wait3A_834 = arith.constant 0 : i32
        %dma_wait3A_835 = tpu.memref_slice %arg5[%select_n3A_806, %dma_wait3A_828, %rem3A_808, %dma_wait3A_833, %dma_wait3A_834] : memref<200x8x32x8x128xf32, #tpu.memory_space<hbm>> -> memref<1x1x1x8x128xf32, #tpu.memory_space<hbm>>
        %dma_wait3A_836 = tpu.memref_squeeze %dma_wait3A_835 : memref<1x1x1x8x128xf32, #tpu.memory_space<hbm>> -> memref<8x128xf32, #tpu.memory_space<hbm>>
        %dma_wait3A_837 = arith.constant 0 : i32
        %dma_wait3A_838 = arith.constant 0 : i32
        %dma_wait3A_839 = tpu.memref_slice %arg5[%select_n3A_806, %dma_wait3A_828, %rem3A_808, %dma_wait3A_837, %dma_wait3A_838] : memref<200x8x32x8x128xf32, #tpu.memory_space<hbm>> -> memref<1x1x1x8x128xf32, #tpu.memory_space<hbm>>
        %dma_wait3A_840 = tpu.memref_squeeze %dma_wait3A_839 : memref<1x1x1x8x128xf32, #tpu.memory_space<hbm>> -> memref<8x128xf32, #tpu.memory_space<hbm>>
        %dma_wait3A_841 = arith.constant 8 : i32
        %dma_wait3A_842 = arith.constant 0 : i32
        %dma_wait3A_843 = tpu.memref_slice %arg8[%dma_wait3A_827, %dma_wait3A_841, %dma_wait3A_842] : memref<2x64x129xf32, #tpu.memory_space<vmem>> -> memref<1x8x128xf32, #tpu.memory_space<vmem>>
        %dma_wait3A_844 = tpu.memref_squeeze %dma_wait3A_843 : memref<1x8x128xf32, #tpu.memory_space<vmem>> -> memref<8x128xf32, #tpu.memory_space<vmem>>
        tpu.wait_dma2 semaphore(%arg12 : memref<!tpu.dma_semaphore, #tpu.memory_space<semaphore_mem>>) src(%dma_wait3A_844 : memref<8x128xf32, #tpu.memory_space<vmem>>) dst(%dma_wait3A_840 : memref<8x128xf32, #tpu.memory_space<hbm>>)
        %dma_wait3A_845 = arith.constant 0 : i32
        %dma_wait3A_846 = arith.constant 2 : i32
        %dma_wait3A_847 = arith.constant 16 : i32
        %dma_wait3A_848 = arith.constant 0 : i32
        %dma_wait3A_849 = tpu.memref_slice %arg8[%dma_wait3A_845, %dma_wait3A_847, %dma_wait3A_848] : memref<2x64x129xf32, #tpu.memory_space<vmem>> -> memref<1x8x128xf32, #tpu.memory_space<vmem>>
        %dma_wait3A_850 = tpu.memref_squeeze %dma_wait3A_849 : memref<1x8x128xf32, #tpu.memory_space<vmem>> -> memref<8x128xf32, #tpu.memory_space<vmem>>
        %dma_wait3A_851 = arith.constant 0 : i32
        %dma_wait3A_852 = arith.constant 0 : i32
        %dma_wait3A_853 = tpu.memref_slice %arg5[%select_n3A_806, %dma_wait3A_846, %rem3A_808, %dma_wait3A_851, %dma_wait3A_852] : memref<200x8x32x8x128xf32, #tpu.memory_space<hbm>> -> memref<1x1x1x8x128xf32, #tpu.memory_space<hbm>>
        %dma_wait3A_854 = tpu.memref_squeeze %dma_wait3A_853 : memref<1x1x1x8x128xf32, #tpu.memory_space<hbm>> -> memref<8x128xf32, #tpu.memory_space<hbm>>
        %dma_wait3A_855 = arith.constant 0 : i32
        %dma_wait3A_856 = arith.constant 0 : i32
        %dma_wait3A_857 = tpu.memref_slice %arg5[%select_n3A_806, %dma_wait3A_846, %rem3A_808, %dma_wait3A_855, %dma_wait3A_856] : memref<200x8x32x8x128xf32, #tpu.memory_space<hbm>> -> memref<1x1x1x8x128xf32, #tpu.memory_space<hbm>>
        %dma_wait3A_858 = tpu.memref_squeeze %dma_wait3A_857 : memref<1x1x1x8x128xf32, #tpu.memory_space<hbm>> -> memref<8x128xf32, #tpu.memory_space<hbm>>
        %dma_wait3A_859 = arith.constant 16 : i32
        %dma_wait3A_860 = arith.constant 0 : i32
        %dma_wait3A_861 = tpu.memref_slice %arg8[%dma_wait3A_845, %dma_wait3A_859, %dma_wait3A_860] : memref<2x64x129xf32, #tpu.memory_space<vmem>> -> memref<1x8x128xf32, #tpu.memory_space<vmem>>
        %dma_wait3A_862 = tpu.memref_squeeze %dma_wait3A_861 : memref<1x8x128xf32, #tpu.memory_space<vmem>> -> memref<8x128xf32, #tpu.memory_space<vmem>>
        tpu.wait_dma2 semaphore(%arg12 : memref<!tpu.dma_semaphore, #tpu.memory_space<semaphore_mem>>) src(%dma_wait3A_862 : memref<8x128xf32, #tpu.memory_space<vmem>>) dst(%dma_wait3A_858 : memref<8x128xf32, #tpu.memory_space<hbm>>)
        %dma_wait3A_863 = arith.constant 0 : i32
        %dma_wait3A_864 = arith.constant 3 : i32
        %dma_wait3A_865 = arith.constant 24 : i32
        %dma_wait3A_866 = arith.constant 0 : i32
        %dma_wait3A_867 = tpu.memref_slice %arg8[%dma_wait3A_863, %dma_wait3A_865, %dma_wait3A_866] : memref<2x64x129xf32, #tpu.memory_space<vmem>> -> memref<1x8x128xf32, #tpu.memory_space<vmem>>
        %dma_wait3A_868 = tpu.memref_squeeze %dma_wait3A_867 : memref<1x8x128xf32, #tpu.memory_space<vmem>> -> memref<8x128xf32, #tpu.memory_space<vmem>>
        %dma_wait3A_869 = arith.constant 0 : i32
        %dma_wait3A_870 = arith.constant 0 : i32
        %dma_wait3A_871 = tpu.memref_slice %arg5[%select_n3A_806, %dma_wait3A_864, %rem3A_808, %dma_wait3A_869, %dma_wait3A_870] : memref<200x8x32x8x128xf32, #tpu.memory_space<hbm>> -> memref<1x1x1x8x128xf32, #tpu.memory_space<hbm>>
        %dma_wait3A_872 = tpu.memref_squeeze %dma_wait3A_871 : memref<1x1x1x8x128xf32, #tpu.memory_space<hbm>> -> memref<8x128xf32, #tpu.memory_space<hbm>>
        %dma_wait3A_873 = arith.constant 0 : i32
        %dma_wait3A_874 = arith.constant 0 : i32
        %dma_wait3A_875 = tpu.memref_slice %arg5[%select_n3A_806, %dma_wait3A_864, %rem3A_808, %dma_wait3A_873, %dma_wait3A_874] : memref<200x8x32x8x128xf32, #tpu.memory_space<hbm>> -> memref<1x1x1x8x128xf32, #tpu.memory_space<hbm>>
        %dma_wait3A_876 = tpu.memref_squeeze %dma_wait3A_875 : memref<1x1x1x8x128xf32, #tpu.memory_space<hbm>> -> memref<8x128xf32, #tpu.memory_space<hbm>>
        %dma_wait3A_877 = arith.constant 24 : i32
        %dma_wait3A_878 = arith.constant 0 : i32
        %dma_wait3A_879 = tpu.memref_slice %arg8[%dma_wait3A_863, %dma_wait3A_877, %dma_wait3A_878] : memref<2x64x129xf32, #tpu.memory_space<vmem>> -> memref<1x8x128xf32, #tpu.memory_space<vmem>>
        %dma_wait3A_880 = tpu.memref_squeeze %dma_wait3A_879 : memref<1x8x128xf32, #tpu.memory_space<vmem>> -> memref<8x128xf32, #tpu.memory_space<vmem>>
        tpu.wait_dma2 semaphore(%arg12 : memref<!tpu.dma_semaphore, #tpu.memory_space<semaphore_mem>>) src(%dma_wait3A_880 : memref<8x128xf32, #tpu.memory_space<vmem>>) dst(%dma_wait3A_876 : memref<8x128xf32, #tpu.memory_space<hbm>>)
        %dma_wait3A_881 = arith.constant 0 : i32
        %dma_wait3A_882 = arith.constant 4 : i32
        %dma_wait3A_883 = arith.constant 32 : i32
        %dma_wait3A_884 = arith.constant 0 : i32
        %dma_wait3A_885 = tpu.memref_slice %arg8[%dma_wait3A_881, %dma_wait3A_883, %dma_wait3A_884] : memref<2x64x129xf32, #tpu.memory_space<vmem>> -> memref<1x8x128xf32, #tpu.memory_space<vmem>>
        %dma_wait3A_886 = tpu.memref_squeeze %dma_wait3A_885 : memref<1x8x128xf32, #tpu.memory_space<vmem>> -> memref<8x128xf32, #tpu.memory_space<vmem>>
        %dma_wait3A_887 = arith.constant 0 : i32
        %dma_wait3A_888 = arith.constant 0 : i32
        %dma_wait3A_889 = tpu.memref_slice %arg5[%select_n3A_806, %dma_wait3A_882, %rem3A_808, %dma_wait3A_887, %dma_wait3A_888] : memref<200x8x32x8x128xf32, #tpu.memory_space<hbm>> -> memref<1x1x1x8x128xf32, #tpu.memory_space<hbm>>
        %dma_wait3A_890 = tpu.memref_squeeze %dma_wait3A_889 : memref<1x1x1x8x128xf32, #tpu.memory_space<hbm>> -> memref<8x128xf32, #tpu.memory_space<hbm>>
        %dma_wait3A_891 = arith.constant 0 : i32
        %dma_wait3A_892 = arith.constant 0 : i32
        %dma_wait3A_893 = tpu.memref_slice %arg5[%select_n3A_806, %dma_wait3A_882, %rem3A_808, %dma_wait3A_891, %dma_wait3A_892] : memref<200x8x32x8x128xf32, #tpu.memory_space<hbm>> -> memref<1x1x1x8x128xf32, #tpu.memory_space<hbm>>
        %dma_wait3A_894 = tpu.memref_squeeze %dma_wait3A_893 : memref<1x1x1x8x128xf32, #tpu.memory_space<hbm>> -> memref<8x128xf32, #tpu.memory_space<hbm>>
        %dma_wait3A_895 = arith.constant 32 : i32
        %dma_wait3A_896 = arith.constant 0 : i32
        %dma_wait3A_897 = tpu.memref_slice %arg8[%dma_wait3A_881, %dma_wait3A_895, %dma_wait3A_896] : memref<2x64x129xf32, #tpu.memory_space<vmem>> -> memref<1x8x128xf32, #tpu.memory_space<vmem>>
        %dma_wait3A_898 = tpu.memref_squeeze %dma_wait3A_897 : memref<1x8x128xf32, #tpu.memory_space<vmem>> -> memref<8x128xf32, #tpu.memory_space<vmem>>
        tpu.wait_dma2 semaphore(%arg12 : memref<!tpu.dma_semaphore, #tpu.memory_space<semaphore_mem>>) src(%dma_wait3A_898 : memref<8x128xf32, #tpu.memory_space<vmem>>) dst(%dma_wait3A_894 : memref<8x128xf32, #tpu.memory_space<hbm>>)
        %dma_wait3A_899 = arith.constant 0 : i32
        %dma_wait3A_900 = arith.constant 5 : i32
        %dma_wait3A_901 = arith.constant 40 : i32
        %dma_wait3A_902 = arith.constant 0 : i32
        %dma_wait3A_903 = tpu.memref_slice %arg8[%dma_wait3A_899, %dma_wait3A_901, %dma_wait3A_902] : memref<2x64x129xf32, #tpu.memory_space<vmem>> -> memref<1x8x128xf32, #tpu.memory_space<vmem>>
        %dma_wait3A_904 = tpu.memref_squeeze %dma_wait3A_903 : memref<1x8x128xf32, #tpu.memory_space<vmem>> -> memref<8x128xf32, #tpu.memory_space<vmem>>
        %dma_wait3A_905 = arith.constant 0 : i32
        %dma_wait3A_906 = arith.constant 0 : i32
        %dma_wait3A_907 = tpu.memref_slice %arg5[%select_n3A_806, %dma_wait3A_900, %rem3A_808, %dma_wait3A_905, %dma_wait3A_906] : memref<200x8x32x8x128xf32, #tpu.memory_space<hbm>> -> memref<1x1x1x8x128xf32, #tpu.memory_space<hbm>>
        %dma_wait3A_908 = tpu.memref_squeeze %dma_wait3A_907 : memref<1x1x1x8x128xf32, #tpu.memory_space<hbm>> -> memref<8x128xf32, #tpu.memory_space<hbm>>
        %dma_wait3A_909 = arith.constant 0 : i32
        %dma_wait3A_910 = arith.constant 0 : i32
        %dma_wait3A_911 = tpu.memref_slice %arg5[%select_n3A_806, %dma_wait3A_900, %rem3A_808, %dma_wait3A_909, %dma_wait3A_910] : memref<200x8x32x8x128xf32, #tpu.memory_space<hbm>> -> memref<1x1x1x8x128xf32, #tpu.memory_space<hbm>>
        %dma_wait3A_912 = tpu.memref_squeeze %dma_wait3A_911 : memref<1x1x1x8x128xf32, #tpu.memory_space<hbm>> -> memref<8x128xf32, #tpu.memory_space<hbm>>
        %dma_wait3A_913 = arith.constant 40 : i32
        %dma_wait3A_914 = arith.constant 0 : i32
        %dma_wait3A_915 = tpu.memref_slice %arg8[%dma_wait3A_899, %dma_wait3A_913, %dma_wait3A_914] : memref<2x64x129xf32, #tpu.memory_space<vmem>> -> memref<1x8x128xf32, #tpu.memory_space<vmem>>
        %dma_wait3A_916 = tpu.memref_squeeze %dma_wait3A_915 : memref<1x8x128xf32, #tpu.memory_space<vmem>> -> memref<8x128xf32, #tpu.memory_space<vmem>>
        tpu.wait_dma2 semaphore(%arg12 : memref<!tpu.dma_semaphore, #tpu.memory_space<semaphore_mem>>) src(%dma_wait3A_916 : memref<8x128xf32, #tpu.memory_space<vmem>>) dst(%dma_wait3A_912 : memref<8x128xf32, #tpu.memory_space<hbm>>)
        %dma_wait3A_917 = arith.constant 0 : i32
        %dma_wait3A_918 = arith.constant 6 : i32
        %dma_wait3A_919 = arith.constant 48 : i32
        %dma_wait3A_920 = arith.constant 0 : i32
        %dma_wait3A_921 = tpu.memref_slice %arg8[%dma_wait3A_917, %dma_wait3A_919, %dma_wait3A_920] : memref<2x64x129xf32, #tpu.memory_space<vmem>> -> memref<1x8x128xf32, #tpu.memory_space<vmem>>
        %dma_wait3A_922 = tpu.memref_squeeze %dma_wait3A_921 : memref<1x8x128xf32, #tpu.memory_space<vmem>> -> memref<8x128xf32, #tpu.memory_space<vmem>>
        %dma_wait3A_923 = arith.constant 0 : i32
        %dma_wait3A_924 = arith.constant 0 : i32
        %dma_wait3A_925 = tpu.memref_slice %arg5[%select_n3A_806, %dma_wait3A_918, %rem3A_808, %dma_wait3A_923, %dma_wait3A_924] : memref<200x8x32x8x128xf32, #tpu.memory_space<hbm>> -> memref<1x1x1x8x128xf32, #tpu.memory_space<hbm>>
        %dma_wait3A_926 = tpu.memref_squeeze %dma_wait3A_925 : memref<1x1x1x8x128xf32, #tpu.memory_space<hbm>> -> memref<8x128xf32, #tpu.memory_space<hbm>>
        %dma_wait3A_927 = arith.constant 0 : i32
        %dma_wait3A_928 = arith.constant 0 : i32
        %dma_wait3A_929 = tpu.memref_slice %arg5[%select_n3A_806, %dma_wait3A_918, %rem3A_808, %dma_wait3A_927, %dma_wait3A_928] : memref<200x8x32x8x128xf32, #tpu.memory_space<hbm>> -> memref<1x1x1x8x128xf32, #tpu.memory_space<hbm>>
        %dma_wait3A_930 = tpu.memref_squeeze %dma_wait3A_929 : memref<1x1x1x8x128xf32, #tpu.memory_space<hbm>> -> memref<8x128xf32, #tpu.memory_space<hbm>>
        %dma_wait3A_931 = arith.constant 48 : i32
        %dma_wait3A_932 = arith.constant 0 : i32
        %dma_wait3A_933 = tpu.memref_slice %arg8[%dma_wait3A_917, %dma_wait3A_931, %dma_wait3A_932] : memref<2x64x129xf32, #tpu.memory_space<vmem>> -> memref<1x8x128xf32, #tpu.memory_space<vmem>>
        %dma_wait3A_934 = tpu.memref_squeeze %dma_wait3A_933 : memref<1x8x128xf32, #tpu.memory_space<vmem>> -> memref<8x128xf32, #tpu.memory_space<vmem>>
        tpu.wait_dma2 semaphore(%arg12 : memref<!tpu.dma_semaphore, #tpu.memory_space<semaphore_mem>>) src(%dma_wait3A_934 : memref<8x128xf32, #tpu.memory_space<vmem>>) dst(%dma_wait3A_930 : memref<8x128xf32, #tpu.memory_space<hbm>>)
        %dma_wait3A_935 = arith.constant 0 : i32
        %dma_wait3A_936 = arith.constant 7 : i32
        %dma_wait3A_937 = arith.constant 56 : i32
        %dma_wait3A_938 = arith.constant 0 : i32
        %dma_wait3A_939 = tpu.memref_slice %arg8[%dma_wait3A_935, %dma_wait3A_937, %dma_wait3A_938] : memref<2x64x129xf32, #tpu.memory_space<vmem>> -> memref<1x8x128xf32, #tpu.memory_space<vmem>>
        %dma_wait3A_940 = tpu.memref_squeeze %dma_wait3A_939 : memref<1x8x128xf32, #tpu.memory_space<vmem>> -> memref<8x128xf32, #tpu.memory_space<vmem>>
        %dma_wait3A_941 = arith.constant 0 : i32
        %dma_wait3A_942 = arith.constant 0 : i32
        %dma_wait3A_943 = tpu.memref_slice %arg5[%select_n3A_806, %dma_wait3A_936, %rem3A_808, %dma_wait3A_941, %dma_wait3A_942] : memref<200x8x32x8x128xf32, #tpu.memory_space<hbm>> -> memref<1x1x1x8x128xf32, #tpu.memory_space<hbm>>
        %dma_wait3A_944 = tpu.memref_squeeze %dma_wait3A_943 : memref<1x1x1x8x128xf32, #tpu.memory_space<hbm>> -> memref<8x128xf32, #tpu.memory_space<hbm>>
        %dma_wait3A_945 = arith.constant 0 : i32
        %dma_wait3A_946 = arith.constant 0 : i32
        %dma_wait3A_947 = tpu.memref_slice %arg5[%select_n3A_806, %dma_wait3A_936, %rem3A_808, %dma_wait3A_945, %dma_wait3A_946] : memref<200x8x32x8x128xf32, #tpu.memory_space<hbm>> -> memref<1x1x1x8x128xf32, #tpu.memory_space<hbm>>
        %dma_wait3A_948 = tpu.memref_squeeze %dma_wait3A_947 : memref<1x1x1x8x128xf32, #tpu.memory_space<hbm>> -> memref<8x128xf32, #tpu.memory_space<hbm>>
        %dma_wait3A_949 = arith.constant 56 : i32
        %dma_wait3A_950 = arith.constant 0 : i32
        %dma_wait3A_951 = tpu.memref_slice %arg8[%dma_wait3A_935, %dma_wait3A_949, %dma_wait3A_950] : memref<2x64x129xf32, #tpu.memory_space<vmem>> -> memref<1x8x128xf32, #tpu.memory_space<vmem>>
        %dma_wait3A_952 = tpu.memref_squeeze %dma_wait3A_951 : memref<1x8x128xf32, #tpu.memory_space<vmem>> -> memref<8x128xf32, #tpu.memory_space<vmem>>
        tpu.wait_dma2 semaphore(%arg12 : memref<!tpu.dma_semaphore, #tpu.memory_space<semaphore_mem>>) src(%dma_wait3A_952 : memref<8x128xf32, #tpu.memory_space<vmem>>) dst(%dma_wait3A_948 : memref<8x128xf32, #tpu.memory_space<hbm>>)
      } else {
      }
      %iota3A = tpu.iota {dimensions = array<i32: 0>} : vector<16xi32>
      %get3A = arith.index_cast %select_n3A_394 : i32 to index
      %get3A_410 = arith.constant 0 : index
      %get3A_411 = tpu.vector_load %arg9[%get3A, %get3A_410] {strides = array<i32>} : memref<200x64xf32, #tpu.memory_space<vmem>>, vector<16xf32>,
      %get3A_412 = arith.index_cast %select_n3A_394 : i32 to index
      %get3A_413 = arith.constant 16 : index
      %get3A_414 = tpu.vector_load %arg9[%get3A_412, %get3A_413] {strides = array<i32>} : memref<200x64xf32, #tpu.memory_space<vmem>>, vector<16xf32>,
      %get3A_415 = arith.index_cast %select_n3A_394 : i32 to index
      %get3A_416 = arith.constant 32 : index
      %get3A_417 = tpu.vector_load %arg9[%get3A_415, %get3A_416] {strides = array<i32>} : memref<200x64xf32, #tpu.memory_space<vmem>>, vector<16xf32>,
      %get3A_418 = arith.index_cast %select_n3A_394 : i32 to index
      %get3A_419 = arith.constant 48 : index
      %get3A_420 = tpu.vector_load %arg9[%get3A_418, %get3A_419] {strides = array<i32>} : memref<200x64xf32, #tpu.memory_space<vmem>>, vector<16xf32>,
      %dma_start3A_421 = arith.constant 0 : i32
      %dma_start3A_422 = arith.constant 0 : i32
      %dma_start3A_423 = arith.constant 0 : i32
      %dma_start3A_424 = arith.constant 0 : i32
      %dma_start3A_425 = tpu.memref_slice %arg8[%dma_start3A_421, %dma_start3A_423, %dma_start3A_424] : memref<2x64x129xf32, #tpu.memory_space<vmem>> -> memref<1x8x128xf32, #tpu.memory_space<vmem>>
      %dma_start3A_426 = tpu.memref_squeeze %dma_start3A_425 : memref<1x8x128xf32, #tpu.memory_space<vmem>> -> memref<8x128xf32, #tpu.memory_space<vmem>>
      %dma_start3A_427 = arith.constant 0 : i32
      %dma_start3A_428 = arith.constant 0 : i32
      %dma_start3A_429 = tpu.memref_slice %arg5[%select_n3A_394, %dma_start3A_422, %rem3A_396, %dma_start3A_427, %dma_start3A_428] : memref<200x8x32x8x128xf32, #tpu.memory_space<hbm>> -> memref<1x1x1x8x128xf32, #tpu.memory_space<hbm>>
      %dma_start3A_430 = tpu.memref_squeeze %dma_start3A_429 : memref<1x1x1x8x128xf32, #tpu.memory_space<hbm>> -> memref<8x128xf32, #tpu.memory_space<hbm>>
      %dma_start3A_431 = arith.constant 0 : i32
      %dma_start3A_432 = arith.constant 0 : i32
      %dma_start3A_433 = tpu.memref_slice %arg5[%select_n3A_394, %dma_start3A_422, %rem3A_396, %dma_start3A_431, %dma_start3A_432] : memref<200x8x32x8x128xf32, #tpu.memory_space<hbm>> -> memref<1x1x1x8x128xf32, #tpu.memory_space<hbm>>
      %dma_start3A_434 = tpu.memref_squeeze %dma_start3A_433 : memref<1x1x1x8x128xf32, #tpu.memory_space<hbm>> -> memref<8x128xf32, #tpu.memory_space<hbm>>
      %dma_start3A_435 = arith.constant 0 : i32
      %dma_start3A_436 = arith.constant 0 : i32
      %dma_start3A_437 = tpu.memref_slice %arg8[%dma_start3A_421, %dma_start3A_435, %dma_start3A_436] : memref<2x64x129xf32, #tpu.memory_space<vmem>> -> memref<1x8x128xf32, #tpu.memory_space<vmem>>
      %dma_start3A_438 = tpu.memref_squeeze %dma_start3A_437 : memref<1x8x128xf32, #tpu.memory_space<vmem>> -> memref<8x128xf32, #tpu.memory_space<vmem>>
      tpu.enqueue_dma source(%dma_start3A_438 : memref<8x128xf32, #tpu.memory_space<vmem>>) target(%dma_start3A_434 : memref<8x128xf32, #tpu.memory_space<hbm>>) target_semaphore(%arg12 : memref<!tpu.dma_semaphore, #tpu.memory_space<semaphore_mem>>)
      %dma_start3A_439 = arith.constant 0 : i32
      %dma_start3A_440 = arith.constant 1 : i32
      %dma_start3A_441 = arith.constant 8 : i32
      %dma_start3A_442 = arith.constant 0 : i32
      %dma_start3A_443 = tpu.memref_slice %arg8[%dma_start3A_439, %dma_start3A_441, %dma_start3A_442] : memref<2x64x129xf32, #tpu.memory_space<vmem>> -> memref<1x8x128xf32, #tpu.memory_space<vmem>>
      %dma_start3A_444 = tpu.memref_squeeze %dma_start3A_443 : memref<1x8x128xf32, #tpu.memory_space<vmem>> -> memref<8x128xf32, #tpu.memory_space<vmem>>
      %dma_start3A_445 = arith.constant 0 : i32
      %dma_start3A_446 = arith.constant 0 : i32
      %dma_start3A_447 = tpu.memref_slice %arg5[%select_n3A_394, %dma_start3A_440, %rem3A_396, %dma_start3A_445, %dma_start3A_446] : memref<200x8x32x8x128xf32, #tpu.memory_space<hbm>> -> memref<1x1x1x8x128xf32, #tpu.memory_space<hbm>>
      %dma_start3A_448 = tpu.memref_squeeze %dma_start3A_447 : memref<1x1x1x8x128xf32, #tpu.memory_space<hbm>> -> memref<8x128xf32, #tpu.memory_space<hbm>>
      %dma_start3A_449 = arith.constant 0 : i32
      %dma_start3A_450 = arith.constant 0 : i32
      %dma_start3A_451 = tpu.memref_slice %arg5[%select_n3A_394, %dma_start3A_440, %rem3A_396, %dma_start3A_449, %dma_start3A_450] : memref<200x8x32x8x128xf32, #tpu.memory_space<hbm>> -> memref<1x1x1x8x128xf32, #tpu.memory_space<hbm>>
      %dma_start3A_452 = tpu.memref_squeeze %dma_start3A_451 : memref<1x1x1x8x128xf32, #tpu.memory_space<hbm>> -> memref<8x128xf32, #tpu.memory_space<hbm>>
      %dma_start3A_453 = arith.constant 8 : i32
      %dma_start3A_454 = arith.constant 0 : i32
      %dma_start3A_455 = tpu.memref_slice %arg8[%dma_start3A_439, %dma_start3A_453, %dma_start3A_454] : memref<2x64x129xf32, #tpu.memory_space<vmem>> -> memref<1x8x128xf32, #tpu.memory_space<vmem>>
      %dma_start3A_456 = tpu.memref_squeeze %dma_start3A_455 : memref<1x8x128xf32, #tpu.memory_space<vmem>> -> memref<8x128xf32, #tpu.memory_space<vmem>>
      tpu.enqueue_dma source(%dma_start3A_456 : memref<8x128xf32, #tpu.memory_space<vmem>>) target(%dma_start3A_452 : memref<8x128xf32, #tpu.memory_space<hbm>>) target_semaphore(%arg12 : memref<!tpu.dma_semaphore, #tpu.memory_space<semaphore_mem>>)
      %dma_start3A_457 = arith.constant 0 : i32
      %dma_start3A_458 = arith.constant 2 : i32
      %dma_start3A_459 = arith.constant 16 : i32
      %dma_start3A_460 = arith.constant 0 : i32
      %dma_start3A_461 = tpu.memref_slice %arg8[%dma_start3A_457, %dma_start3A_459, %dma_start3A_460] : memref<2x64x129xf32, #tpu.memory_space<vmem>> -> memref<1x8x128xf32, #tpu.memory_space<vmem>>
      %dma_start3A_462 = tpu.memref_squeeze %dma_start3A_461 : memref<1x8x128xf32, #tpu.memory_space<vmem>> -> memref<8x128xf32, #tpu.memory_space<vmem>>
      %dma_start3A_463 = arith.constant 0 : i32
      %dma_start3A_464 = arith.constant 0 : i32
      %dma_start3A_465 = tpu.memref_slice %arg5[%select_n3A_394, %dma_start3A_458, %rem3A_396, %dma_start3A_463, %dma_start3A_464] : memref<200x8x32x8x128xf32, #tpu.memory_space<hbm>> -> memref<1x1x1x8x128xf32, #tpu.memory_space<hbm>>
      %dma_start3A_466 = tpu.memref_squeeze %dma_start3A_465 : memref<1x1x1x8x128xf32, #tpu.memory_space<hbm>> -> memref<8x128xf32, #tpu.memory_space<hbm>>
      %dma_start3A_467 = arith.constant 0 : i32
      %dma_start3A_468 = arith.constant 0 : i32
      %dma_start3A_469 = tpu.memref_slice %arg5[%select_n3A_394, %dma_start3A_458, %rem3A_396, %dma_start3A_467, %dma_start3A_468] : memref<200x8x32x8x128xf32, #tpu.memory_space<hbm>> -> memref<1x1x1x8x128xf32, #tpu.memory_space<hbm>>
      %dma_start3A_470 = tpu.memref_squeeze %dma_start3A_469 : memref<1x1x1x8x128xf32, #tpu.memory_space<hbm>> -> memref<8x128xf32, #tpu.memory_space<hbm>>
      %dma_start3A_471 = arith.constant 16 : i32
      %dma_start3A_472 = arith.constant 0 : i32
      %dma_start3A_473 = tpu.memref_slice %arg8[%dma_start3A_457, %dma_start3A_471, %dma_start3A_472] : memref<2x64x129xf32, #tpu.memory_space<vmem>> -> memref<1x8x128xf32, #tpu.memory_space<vmem>>
      %dma_start3A_474 = tpu.memref_squeeze %dma_start3A_473 : memref<1x8x128xf32, #tpu.memory_space<vmem>> -> memref<8x128xf32, #tpu.memory_space<vmem>>
      tpu.enqueue_dma source(%dma_start3A_474 : memref<8x128xf32, #tpu.memory_space<vmem>>) target(%dma_start3A_470 : memref<8x128xf32, #tpu.memory_space<hbm>>) target_semaphore(%arg12 : memref<!tpu.dma_semaphore, #tpu.memory_space<semaphore_mem>>)
      %dma_start3A_475 = arith.constant 0 : i32
      %dma_start3A_476 = arith.constant 3 : i32
      %dma_start3A_477 = arith.constant 24 : i32
      %dma_start3A_478 = arith.constant 0 : i32
      %dma_start3A_479 = tpu.memref_slice %arg8[%dma_start3A_475, %dma_start3A_477, %dma_start3A_478] : memref<2x64x129xf32, #tpu.memory_space<vmem>> -> memref<1x8x128xf32, #tpu.memory_space<vmem>>
      %dma_start3A_480 = tpu.memref_squeeze %dma_start3A_479 : memref<1x8x128xf32, #tpu.memory_space<vmem>> -> memref<8x128xf32, #tpu.memory_space<vmem>>
      %dma_start3A_481 = arith.constant 0 : i32
      %dma_start3A_482 = arith.constant 0 : i32
      %dma_start3A_483 = tpu.memref_slice %arg5[%select_n3A_394, %dma_start3A_476, %rem3A_396, %dma_start3A_481, %dma_start3A_482] : memref<200x8x32x8x128xf32, #tpu.memory_space<hbm>> -> memref<1x1x1x8x128xf32, #tpu.memory_space<hbm>>
      %dma_start3A_484 = tpu.memref_squeeze %dma_start3A_483 : memref<1x1x1x8x128xf32, #tpu.memory_space<hbm>> -> memref<8x128xf32, #tpu.memory_space<hbm>>
      %dma_start3A_485 = arith.constant 0 : i32
      %dma_start3A_486 = arith.constant 0 : i32
      %dma_start3A_487 = tpu.memref_slice %arg5[%select_n3A_394, %dma_start3A_476, %rem3A_396, %dma_start3A_485, %dma_start3A_486] : memref<200x8x32x8x128xf32, #tpu.memory_space<hbm>> -> memref<1x1x1x8x128xf32, #tpu.memory_space<hbm>>
      %dma_start3A_488 = tpu.memref_squeeze %dma_start3A_487 : memref<1x1x1x8x128xf32, #tpu.memory_space<hbm>> -> memref<8x128xf32, #tpu.memory_space<hbm>>
      %dma_start3A_489 = arith.constant 24 : i32
      %dma_start3A_490 = arith.constant 0 : i32
      %dma_start3A_491 = tpu.memref_slice %arg8[%dma_start3A_475, %dma_start3A_489, %dma_start3A_490] : memref<2x64x129xf32, #tpu.memory_space<vmem>> -> memref<1x8x128xf32, #tpu.memory_space<vmem>>
      %dma_start3A_492 = tpu.memref_squeeze %dma_start3A_491 : memref<1x8x128xf32, #tpu.memory_space<vmem>> -> memref<8x128xf32, #tpu.memory_space<vmem>>
      tpu.enqueue_dma source(%dma_start3A_492 : memref<8x128xf32, #tpu.memory_space<vmem>>) target(%dma_start3A_488 : memref<8x128xf32, #tpu.memory_space<hbm>>) target_semaphore(%arg12 : memref<!tpu.dma_semaphore, #tpu.memory_space<semaphore_mem>>)
      %dma_start3A_493 = arith.constant 0 : i32
      %dma_start3A_494 = arith.constant 4 : i32
      %dma_start3A_495 = arith.constant 32 : i32
      %dma_start3A_496 = arith.constant 0 : i32
      %dma_start3A_497 = tpu.memref_slice %arg8[%dma_start3A_493, %dma_start3A_495, %dma_start3A_496] : memref<2x64x129xf32, #tpu.memory_space<vmem>> -> memref<1x8x128xf32, #tpu.memory_space<vmem>>
      %dma_start3A_498 = tpu.memref_squeeze %dma_start3A_497 : memref<1x8x128xf32, #tpu.memory_space<vmem>> -> memref<8x128xf32, #tpu.memory_space<vmem>>
      %dma_start3A_499 = arith.constant 0 : i32
      %dma_start3A_500 = arith.constant 0 : i32
      %dma_start3A_501 = tpu.memref_slice %arg5[%select_n3A_394, %dma_start3A_494, %rem3A_396, %dma_start3A_499, %dma_start3A_500] : memref<200x8x32x8x128xf32, #tpu.memory_space<hbm>> -> memref<1x1x1x8x128xf32, #tpu.memory_space<hbm>>
      %dma_start3A_502 = tpu.memref_squeeze %dma_start3A_501 : memref<1x1x1x8x128xf32, #tpu.memory_space<hbm>> -> memref<8x128xf32, #tpu.memory_space<hbm>>
      %dma_start3A_503 = arith.constant 0 : i32
      %dma_start3A_504 = arith.constant 0 : i32
      %dma_start3A_505 = tpu.memref_slice %arg5[%select_n3A_394, %dma_start3A_494, %rem3A_396, %dma_start3A_503, %dma_start3A_504] : memref<200x8x32x8x128xf32, #tpu.memory_space<hbm>> -> memref<1x1x1x8x128xf32, #tpu.memory_space<hbm>>
      %dma_start3A_506 = tpu.memref_squeeze %dma_start3A_505 : memref<1x1x1x8x128xf32, #tpu.memory_space<hbm>> -> memref<8x128xf32, #tpu.memory_space<hbm>>
      %dma_start3A_507 = arith.constant 32 : i32
      %dma_start3A_508 = arith.constant 0 : i32
      %dma_start3A_509 = tpu.memref_slice %arg8[%dma_start3A_493, %dma_start3A_507, %dma_start3A_508] : memref<2x64x129xf32, #tpu.memory_space<vmem>> -> memref<1x8x128xf32, #tpu.memory_space<vmem>>
      %dma_start3A_510 = tpu.memref_squeeze %dma_start3A_509 : memref<1x8x128xf32, #tpu.memory_space<vmem>> -> memref<8x128xf32, #tpu.memory_space<vmem>>
      tpu.enqueue_dma source(%dma_start3A_510 : memref<8x128xf32, #tpu.memory_space<vmem>>) target(%dma_start3A_506 : memref<8x128xf32, #tpu.memory_space<hbm>>) target_semaphore(%arg12 : memref<!tpu.dma_semaphore, #tpu.memory_space<semaphore_mem>>)
      %dma_start3A_511 = arith.constant 0 : i32
      %dma_start3A_512 = arith.constant 5 : i32
      %dma_start3A_513 = arith.constant 40 : i32
      %dma_start3A_514 = arith.constant 0 : i32
      %dma_start3A_515 = tpu.memref_slice %arg8[%dma_start3A_511, %dma_start3A_513, %dma_start3A_514] : memref<2x64x129xf32, #tpu.memory_space<vmem>> -> memref<1x8x128xf32, #tpu.memory_space<vmem>>
      %dma_start3A_516 = tpu.memref_squeeze %dma_start3A_515 : memref<1x8x128xf32, #tpu.memory_space<vmem>> -> memref<8x128xf32, #tpu.memory_space<vmem>>
      %dma_start3A_517 = arith.constant 0 : i32
      %dma_start3A_518 = arith.constant 0 : i32
      %dma_start3A_519 = tpu.memref_slice %arg5[%select_n3A_394, %dma_start3A_512, %rem3A_396, %dma_start3A_517, %dma_start3A_518] : memref<200x8x32x8x128xf32, #tpu.memory_space<hbm>> -> memref<1x1x1x8x128xf32, #tpu.memory_space<hbm>>
      %dma_start3A_520 = tpu.memref_squeeze %dma_start3A_519 : memref<1x1x1x8x128xf32, #tpu.memory_space<hbm>> -> memref<8x128xf32, #tpu.memory_space<hbm>>
      %dma_start3A_521 = arith.constant 0 : i32
      %dma_start3A_522 = arith.constant 0 : i32
      %dma_start3A_523 = tpu.memref_slice %arg5[%select_n3A_394, %dma_start3A_512, %rem3A_396, %dma_start3A_521, %dma_start3A_522] : memref<200x8x32x8x128xf32, #tpu.memory_space<hbm>> -> memref<1x1x1x8x128xf32, #tpu.memory_space<hbm>>
      %dma_start3A_524 = tpu.memref_squeeze %dma_start3A_523 : memref<1x1x1x8x128xf32, #tpu.memory_space<hbm>> -> memref<8x128xf32, #tpu.memory_space<hbm>>
      %dma_start3A_525 = arith.constant 40 : i32
      %dma_start3A_526 = arith.constant 0 : i32
      %dma_start3A_527 = tpu.memref_slice %arg8[%dma_start3A_511, %dma_start3A_525, %dma_start3A_526] : memref<2x64x129xf32, #tpu.memory_space<vmem>> -> memref<1x8x128xf32, #tpu.memory_space<vmem>>
      %dma_start3A_528 = tpu.memref_squeeze %dma_start3A_527 : memref<1x8x128xf32, #tpu.memory_space<vmem>> -> memref<8x128xf32, #tpu.memory_space<vmem>>
      tpu.enqueue_dma source(%dma_start3A_528 : memref<8x128xf32, #tpu.memory_space<vmem>>) target(%dma_start3A_524 : memref<8x128xf32, #tpu.memory_space<hbm>>) target_semaphore(%arg12 : memref<!tpu.dma_semaphore, #tpu.memory_space<semaphore_mem>>)
      %dma_start3A_529 = arith.constant 0 : i32
      %dma_start3A_530 = arith.constant 6 : i32
      %dma_start3A_531 = arith.constant 48 : i32
      %dma_start3A_532 = arith.constant 0 : i32
      %dma_start3A_533 = tpu.memref_slice %arg8[%dma_start3A_529, %dma_start3A_531, %dma_start3A_532] : memref<2x64x129xf32, #tpu.memory_space<vmem>> -> memref<1x8x128xf32, #tpu.memory_space<vmem>>
      %dma_start3A_534 = tpu.memref_squeeze %dma_start3A_533 : memref<1x8x128xf32, #tpu.memory_space<vmem>> -> memref<8x128xf32, #tpu.memory_space<vmem>>
      %dma_start3A_535 = arith.constant 0 : i32
      %dma_start3A_536 = arith.constant 0 : i32
      %dma_start3A_537 = tpu.memref_slice %arg5[%select_n3A_394, %dma_start3A_530, %rem3A_396, %dma_start3A_535, %dma_start3A_536] : memref<200x8x32x8x128xf32, #tpu.memory_space<hbm>> -> memref<1x1x1x8x128xf32, #tpu.memory_space<hbm>>
      %dma_start3A_538 = tpu.memref_squeeze %dma_start3A_537 : memref<1x1x1x8x128xf32, #tpu.memory_space<hbm>> -> memref<8x128xf32, #tpu.memory_space<hbm>>
      %dma_start3A_539 = arith.constant 0 : i32
      %dma_start3A_540 = arith.constant 0 : i32
      %dma_start3A_541 = tpu.memref_slice %arg5[%select_n3A_394, %dma_start3A_530, %rem3A_396, %dma_start3A_539, %dma_start3A_540] : memref<200x8x32x8x128xf32, #tpu.memory_space<hbm>> -> memref<1x1x1x8x128xf32, #tpu.memory_space<hbm>>
      %dma_start3A_542 = tpu.memref_squeeze %dma_start3A_541 : memref<1x1x1x8x128xf32, #tpu.memory_space<hbm>> -> memref<8x128xf32, #tpu.memory_space<hbm>>
      %dma_start3A_543 = arith.constant 48 : i32
      %dma_start3A_544 = arith.constant 0 : i32
      %dma_start3A_545 = tpu.memref_slice %arg8[%dma_start3A_529, %dma_start3A_543, %dma_start3A_544] : memref<2x64x129xf32, #tpu.memory_space<vmem>> -> memref<1x8x128xf32, #tpu.memory_space<vmem>>
      %dma_start3A_546 = tpu.memref_squeeze %dma_start3A_545 : memref<1x8x128xf32, #tpu.memory_space<vmem>> -> memref<8x128xf32, #tpu.memory_space<vmem>>
      tpu.enqueue_dma source(%dma_start3A_546 : memref<8x128xf32, #tpu.memory_space<vmem>>) target(%dma_start3A_542 : memref<8x128xf32, #tpu.memory_space<hbm>>) target_semaphore(%arg12 : memref<!tpu.dma_semaphore, #tpu.memory_space<semaphore_mem>>)
      %dma_start3A_547 = arith.constant 0 : i32
      %dma_start3A_548 = arith.constant 7 : i32
      %dma_start3A_549 = arith.constant 56 : i32
      %dma_start3A_550 = arith.constant 0 : i32
      %dma_start3A_551 = tpu.memref_slice %arg8[%dma_start3A_547, %dma_start3A_549, %dma_start3A_550] : memref<2x64x129xf32, #tpu.memory_space<vmem>> -> memref<1x8x128xf32, #tpu.memory_space<vmem>>
      %dma_start3A_552 = tpu.memref_squeeze %dma_start3A_551 : memref<1x8x128xf32, #tpu.memory_space<vmem>> -> memref<8x128xf32, #tpu.memory_space<vmem>>
      %dma_start3A_553 = arith.constant 0 : i32
      %dma_start3A_554 = arith.constant 0 : i32
      %dma_start3A_555 = tpu.memref_slice %arg5[%select_n3A_394, %dma_start3A_548, %rem3A_396, %dma_start3A_553, %dma_start3A_554] : memref<200x8x32x8x128xf32, #tpu.memory_space<hbm>> -> memref<1x1x1x8x128xf32, #tpu.memory_space<hbm>>
      %dma_start3A_556 = tpu.memref_squeeze %dma_start3A_555 : memref<1x1x1x8x128xf32, #tpu.memory_space<hbm>> -> memref<8x128xf32, #tpu.memory_space<hbm>>
      %dma_start3A_557 = arith.constant 0 : i32
      %dma_start3A_558 = arith.constant 0 : i32
      %dma_start3A_559 = tpu.memref_slice %arg5[%select_n3A_394, %dma_start3A_548, %rem3A_396, %dma_start3A_557, %dma_start3A_558] : memref<200x8x32x8x128xf32, #tpu.memory_space<hbm>> -> memref<1x1x1x8x128xf32, #tpu.memory_space<hbm>>
      %dma_start3A_560 = tpu.memref_squeeze %dma_start3A_559 : memref<1x1x1x8x128xf32, #tpu.memory_space<hbm>> -> memref<8x128xf32, #tpu.memory_space<hbm>>
      %dma_start3A_561 = arith.constant 56 : i32
      %dma_start3A_562 = arith.constant 0 : i32
      %dma_start3A_563 = tpu.memref_slice %arg8[%dma_start3A_547, %dma_start3A_561, %dma_start3A_562] : memref<2x64x129xf32, #tpu.memory_space<vmem>> -> memref<1x8x128xf32, #tpu.memory_space<vmem>>
      %dma_start3A_564 = tpu.memref_squeeze %dma_start3A_563 : memref<1x8x128xf32, #tpu.memory_space<vmem>> -> memref<8x128xf32, #tpu.memory_space<vmem>>
      tpu.enqueue_dma source(%dma_start3A_564 : memref<8x128xf32, #tpu.memory_space<vmem>>) target(%dma_start3A_560 : memref<8x128xf32, #tpu.memory_space<hbm>>) target_semaphore(%arg12 : memref<!tpu.dma_semaphore, #tpu.memory_space<semaphore_mem>>)
      %add3A_565 = arith.constant 2 : i32
      %add3A_566 = arith.addi %add3A_369, %add3A_565 : i32
      %lt3A = arith.constant 200 : i32
      %lt3A_567 = arith.cmpi slt, %add3A_566, %lt3A : i32
      %convert_element_type3A_568 = arith.extui %lt3A_567 : i1 to i32
      %cond3A_569 = arith.constant 0 : i32
      %cond3A_570 = arith.cmpi ne, %convert_element_type3A_568, %cond3A_569 : i32
      scf.if %cond3A_570 {
        %mul3A_780 = arith.constant 128 : i32
        %mul3A_781 = arith.muli %add3A_566, %mul3A_780 : i32
        %dma_start3A_782 = arith.constant 0 : i32
        %dma_start3A_783 = arith.constant 0 : i32
        %dma_start3A_784 = arith.constant 0 : i32
        %dma_start3A_785 = tpu.memref_slice %arg7[%dma_start3A_782, %dma_start3A_783, %dma_start3A_784] : memref<2x128x128xf32, #tpu.memory_space<vmem>> -> memref<1x128x128xf32, #tpu.memory_space<vmem>>
        %dma_start3A_786 = tpu.memref_squeeze %dma_start3A_785 : memref<1x128x128xf32, #tpu.memory_space<vmem>> -> memref<128x128xf32, #tpu.memory_space<vmem>>
        %dma_start3A_787 = tpu.memref_slice %arg6[%mul3A_781] : memref<25600xi32, #tpu.memory_space<vmem>> -> memref<128xi32, #tpu.memory_space<vmem>>
        %dma_start3A_788 = arith.constant 0 : i32
        %dma_start3A_789 = arith.constant 0 : i32
        %dma_start3A_790 = tpu.memref_slice %arg3[%dma_start3A_788, %dma_start3A_789] : memref<1000000x128xf32, #tpu.memory_space<hbm>> -> memref<1000000x128xf32, #tpu.memory_space<hbm>>
        tpu.enqueue_indirect_dma source(%dma_start3A_790 : memref<1000000x128xf32, #tpu.memory_space<hbm>>) target(%dma_start3A_786 : memref<128x128xf32, #tpu.memory_space<vmem>>) offsets(%dma_start3A_787 : memref<128xi32, #tpu.memory_space<vmem>>) semaphore(%arg10 : memref<!tpu.dma_semaphore, #tpu.memory_space<semaphore_mem>>)
      } else {
      }
      %add3A_571 = arith.constant 1 : i32
      %add3A_572 = arith.addi %add3A_367, %add3A_571 : i32
      %add3A_573 = arith.addi %mul3A_4, %add3A_572 : i32
      %jit3A_574 = arith.constant 32 : i32
      %div3A_575 = arith.divsi %add3A_573, %jit3A_574 : i32
      %sign3A_576 = arith.constant 0 : i32
      %sign3A_577 = arith.cmpi sgt, %add3A_573, %sign3A_576 : i32
      %sign3A_578 = arith.extui %sign3A_577 : i1 to i32
      %sign3A_579 = arith.constant 0 : i32
      %sign3A_580 = arith.cmpi slt, %add3A_573, %sign3A_579 : i32
      %sign3A_581 = arith.extui %sign3A_580 : i1 to i32
      %sign3A_582 = arith.subi %sign3A_578, %sign3A_581 : i32
      %sign3A_583 = arith.constant 0 : i32
      %sign3A_584 = arith.cmpi sgt, %jit3A_574, %sign3A_583 : i32
      %sign3A_585 = arith.extui %sign3A_584 : i1 to i32
      %sign3A_586 = arith.constant 0 : i32
      %sign3A_587 = arith.cmpi slt, %jit3A_574, %sign3A_586 : i32
      %sign3A_588 = arith.extui %sign3A_587 : i1 to i32
      %sign3A_589 = arith.subi %sign3A_585, %sign3A_588 : i32
      %ne3A_590 = arith.cmpi ne, %sign3A_582, %sign3A_589 : i32
      %rem3A_591 = arith.remsi %add3A_573, %jit3A_574 : i32
      %ne3A_592 = arith.constant 0 : i32
      %ne3A_593 = arith.cmpi ne, %rem3A_591, %ne3A_592 : i32
      %and3A_594 = arith.andi %ne3A_590, %ne3A_593 : i1
      %sub3A_595 = arith.constant 1 : i32
      %sub3A_596 = arith.subi %div3A_575, %sub3A_595 : i32
      %select_n3A_597 = arith.select %and3A_594, %sub3A_596, %div3A_575 : i32
      %rem3A_598 = arith.constant 32 : i32
      %rem3A_599 = arith.remsi %add3A_573, %rem3A_598 : i32
      %mul3A_600 = arith.constant 128 : i32
      %mul3A_601 = arith.muli %add3A_572, %mul3A_600 : i32
      %dma_wait3A_602 = arith.constant 1 : i32
      %dma_wait3A_603 = arith.constant 0 : i32
      %dma_wait3A_604 = arith.constant 0 : i32
      %dma_wait3A_605 = tpu.memref_slice %arg7[%dma_wait3A_602, %dma_wait3A_603, %dma_wait3A_604] : memref<2x128x128xf32, #tpu.memory_space<vmem>> -> memref<1x128x128xf32, #tpu.memory_space<vmem>>
      %dma_wait3A_606 = tpu.memref_squeeze %dma_wait3A_605 : memref<1x128x128xf32, #tpu.memory_space<vmem>> -> memref<128x128xf32, #tpu.memory_space<vmem>>
      %dma_wait3A_607 = tpu.memref_slice %arg6[%mul3A_601] : memref<25600xi32, #tpu.memory_space<vmem>> -> memref<128xi32, #tpu.memory_space<vmem>>
      %dma_wait3A_608 = arith.constant 0 : i32
      %dma_wait3A_609 = arith.constant 0 : i32
      %dma_wait3A_610 = tpu.memref_slice %arg3[%dma_wait3A_608, %dma_wait3A_609] : memref<1000000x128xf32, #tpu.memory_space<hbm>> -> memref<1000000x128xf32, #tpu.memory_space<hbm>>
      tpu.wait_indirect_dma semaphore(%arg11 : memref<!tpu.dma_semaphore, #tpu.memory_space<semaphore_mem>>) src(%dma_wait3A_610 : memref<1000000x128xf32, #tpu.memory_space<hbm>>) dst(%dma_wait3A_606 : memref<128x128xf32, #tpu.memory_space<vmem>>)
      %ge3A_611 = arith.constant 2 : i32
      %ge3A_612 = arith.cmpi sge, %add3A_572, %ge3A_611 : i32
      %convert_element_type3A_613 = arith.extui %ge3A_612 : i1 to i32
      %cond3A_614 = arith.constant 0 : i32
      %cond3A_615 = arith.cmpi ne, %convert_element_type3A_613, %cond3A_614 : i32
      scf.if %cond3A_615 {
        %add3A_780 = arith.addi %mul3A_4, %add3A_572 : i32
        %sub3A_781 = arith.constant 2 : i32
        %sub3A_782 = arith.subi %add3A_780, %sub3A_781 : i32
        %jit3A_783 = arith.constant 32 : i32
        %div3A_784 = arith.divsi %sub3A_782, %jit3A_783 : i32
        %sign3A_785 = arith.constant 0 : i32
        %sign3A_786 = arith.cmpi sgt, %sub3A_782, %sign3A_785 : i32
        %sign3A_787 = arith.extui %sign3A_786 : i1 to i32
        %sign3A_788 = arith.constant 0 : i32
        %sign3A_789 = arith.cmpi slt, %sub3A_782, %sign3A_788 : i32
        %sign3A_790 = arith.extui %sign3A_789 : i1 to i32
        %sign3A_791 = arith.subi %sign3A_787, %sign3A_790 : i32
        %sign3A_792 = arith.constant 0 : i32
        %sign3A_793 = arith.cmpi sgt, %jit3A_783, %sign3A_792 : i32
        %sign3A_794 = arith.extui %sign3A_793 : i1 to i32
        %sign3A_795 = arith.constant 0 : i32
        %sign3A_796 = arith.cmpi slt, %jit3A_783, %sign3A_795 : i32
        %sign3A_797 = arith.extui %sign3A_796 : i1 to i32
        %sign3A_798 = arith.subi %sign3A_794, %sign3A_797 : i32
        %ne3A_799 = arith.cmpi ne, %sign3A_791, %sign3A_798 : i32
        %rem3A_800 = arith.remsi %sub3A_782, %jit3A_783 : i32
        %ne3A_801 = arith.constant 0 : i32
        %ne3A_802 = arith.cmpi ne, %rem3A_800, %ne3A_801 : i32
        %and3A_803 = arith.andi %ne3A_799, %ne3A_802 : i1
        %sub3A_804 = arith.constant 1 : i32
        %sub3A_805 = arith.subi %div3A_784, %sub3A_804 : i32
        %select_n3A_806 = arith.select %and3A_803, %sub3A_805, %div3A_784 : i32
        %rem3A_807 = arith.constant 32 : i32
        %rem3A_808 = arith.remsi %sub3A_782, %rem3A_807 : i32
        %dma_wait3A_809 = arith.constant 1 : i32
        %dma_wait3A_810 = arith.constant 0 : i32
        %dma_wait3A_811 = arith.constant 0 : i32
        %dma_wait3A_812 = arith.constant 0 : i32
        %dma_wait3A_813 = tpu.memref_slice %arg8[%dma_wait3A_809, %dma_wait3A_811, %dma_wait3A_812] : memref<2x64x129xf32, #tpu.memory_space<vmem>> -> memref<1x8x128xf32, #tpu.memory_space<vmem>>
        %dma_wait3A_814 = tpu.memref_squeeze %dma_wait3A_813 : memref<1x8x128xf32, #tpu.memory_space<vmem>> -> memref<8x128xf32, #tpu.memory_space<vmem>>
        %dma_wait3A_815 = arith.constant 0 : i32
        %dma_wait3A_816 = arith.constant 0 : i32
        %dma_wait3A_817 = tpu.memref_slice %arg5[%select_n3A_806, %dma_wait3A_810, %rem3A_808, %dma_wait3A_815, %dma_wait3A_816] : memref<200x8x32x8x128xf32, #tpu.memory_space<hbm>> -> memref<1x1x1x8x128xf32, #tpu.memory_space<hbm>>
        %dma_wait3A_818 = tpu.memref_squeeze %dma_wait3A_817 : memref<1x1x1x8x128xf32, #tpu.memory_space<hbm>> -> memref<8x128xf32, #tpu.memory_space<hbm>>
        %dma_wait3A_819 = arith.constant 0 : i32
        %dma_wait3A_820 = arith.constant 0 : i32
        %dma_wait3A_821 = tpu.memref_slice %arg5[%select_n3A_806, %dma_wait3A_810, %rem3A_808, %dma_wait3A_819, %dma_wait3A_820] : memref<200x8x32x8x128xf32, #tpu.memory_space<hbm>> -> memref<1x1x1x8x128xf32, #tpu.memory_space<hbm>>
        %dma_wait3A_822 = tpu.memref_squeeze %dma_wait3A_821 : memref<1x1x1x8x128xf32, #tpu.memory_space<hbm>> -> memref<8x128xf32, #tpu.memory_space<hbm>>
        %dma_wait3A_823 = arith.constant 0 : i32
        %dma_wait3A_824 = arith.constant 0 : i32
        %dma_wait3A_825 = tpu.memref_slice %arg8[%dma_wait3A_809, %dma_wait3A_823, %dma_wait3A_824] : memref<2x64x129xf32, #tpu.memory_space<vmem>> -> memref<1x8x128xf32, #tpu.memory_space<vmem>>
        %dma_wait3A_826 = tpu.memref_squeeze %dma_wait3A_825 : memref<1x8x128xf32, #tpu.memory_space<vmem>> -> memref<8x128xf32, #tpu.memory_space<vmem>>
        tpu.wait_dma2 semaphore(%arg13 : memref<!tpu.dma_semaphore, #tpu.memory_space<semaphore_mem>>) src(%dma_wait3A_826 : memref<8x128xf32, #tpu.memory_space<vmem>>) dst(%dma_wait3A_822 : memref<8x128xf32, #tpu.memory_space<hbm>>)
        %dma_wait3A_827 = arith.constant 1 : i32
        %dma_wait3A_828 = arith.constant 1 : i32
        %dma_wait3A_829 = arith.constant 8 : i32
        %dma_wait3A_830 = arith.constant 0 : i32
        %dma_wait3A_831 = tpu.memref_slice %arg8[%dma_wait3A_827, %dma_wait3A_829, %dma_wait3A_830] : memref<2x64x129xf32, #tpu.memory_space<vmem>> -> memref<1x8x128xf32, #tpu.memory_space<vmem>>
        %dma_wait3A_832 = tpu.memref_squeeze %dma_wait3A_831 : memref<1x8x128xf32, #tpu.memory_space<vmem>> -> memref<8x128xf32, #tpu.memory_space<vmem>>
        %dma_wait3A_833 = arith.constant 0 : i32
        %dma_wait3A_834 = arith.constant 0 : i32
        %dma_wait3A_835 = tpu.memref_slice %arg5[%select_n3A_806, %dma_wait3A_828, %rem3A_808, %dma_wait3A_833, %dma_wait3A_834] : memref<200x8x32x8x128xf32, #tpu.memory_space<hbm>> -> memref<1x1x1x8x128xf32, #tpu.memory_space<hbm>>
        %dma_wait3A_836 = tpu.memref_squeeze %dma_wait3A_835 : memref<1x1x1x8x128xf32, #tpu.memory_space<hbm>> -> memref<8x128xf32, #tpu.memory_space<hbm>>
        %dma_wait3A_837 = arith.constant 0 : i32
        %dma_wait3A_838 = arith.constant 0 : i32
        %dma_wait3A_839 = tpu.memref_slice %arg5[%select_n3A_806, %dma_wait3A_828, %rem3A_808, %dma_wait3A_837, %dma_wait3A_838] : memref<200x8x32x8x128xf32, #tpu.memory_space<hbm>> -> memref<1x1x1x8x128xf32, #tpu.memory_space<hbm>>
        %dma_wait3A_840 = tpu.memref_squeeze %dma_wait3A_839 : memref<1x1x1x8x128xf32, #tpu.memory_space<hbm>> -> memref<8x128xf32, #tpu.memory_space<hbm>>
        %dma_wait3A_841 = arith.constant 8 : i32
        %dma_wait3A_842 = arith.constant 0 : i32
        %dma_wait3A_843 = tpu.memref_slice %arg8[%dma_wait3A_827, %dma_wait3A_841, %dma_wait3A_842] : memref<2x64x129xf32, #tpu.memory_space<vmem>> -> memref<1x8x128xf32, #tpu.memory_space<vmem>>
        %dma_wait3A_844 = tpu.memref_squeeze %dma_wait3A_843 : memref<1x8x128xf32, #tpu.memory_space<vmem>> -> memref<8x128xf32, #tpu.memory_space<vmem>>
        tpu.wait_dma2 semaphore(%arg13 : memref<!tpu.dma_semaphore, #tpu.memory_space<semaphore_mem>>) src(%dma_wait3A_844 : memref<8x128xf32, #tpu.memory_space<vmem>>) dst(%dma_wait3A_840 : memref<8x128xf32, #tpu.memory_space<hbm>>)
        %dma_wait3A_845 = arith.constant 1 : i32
        %dma_wait3A_846 = arith.constant 2 : i32
        %dma_wait3A_847 = arith.constant 16 : i32
        %dma_wait3A_848 = arith.constant 0 : i32
        %dma_wait3A_849 = tpu.memref_slice %arg8[%dma_wait3A_845, %dma_wait3A_847, %dma_wait3A_848] : memref<2x64x129xf32, #tpu.memory_space<vmem>> -> memref<1x8x128xf32, #tpu.memory_space<vmem>>
        %dma_wait3A_850 = tpu.memref_squeeze %dma_wait3A_849 : memref<1x8x128xf32, #tpu.memory_space<vmem>> -> memref<8x128xf32, #tpu.memory_space<vmem>>
        %dma_wait3A_851 = arith.constant 0 : i32
        %dma_wait3A_852 = arith.constant 0 : i32
        %dma_wait3A_853 = tpu.memref_slice %arg5[%select_n3A_806, %dma_wait3A_846, %rem3A_808, %dma_wait3A_851, %dma_wait3A_852] : memref<200x8x32x8x128xf32, #tpu.memory_space<hbm>> -> memref<1x1x1x8x128xf32, #tpu.memory_space<hbm>>
        %dma_wait3A_854 = tpu.memref_squeeze %dma_wait3A_853 : memref<1x1x1x8x128xf32, #tpu.memory_space<hbm>> -> memref<8x128xf32, #tpu.memory_space<hbm>>
        %dma_wait3A_855 = arith.constant 0 : i32
        %dma_wait3A_856 = arith.constant 0 : i32
        %dma_wait3A_857 = tpu.memref_slice %arg5[%select_n3A_806, %dma_wait3A_846, %rem3A_808, %dma_wait3A_855, %dma_wait3A_856] : memref<200x8x32x8x128xf32, #tpu.memory_space<hbm>> -> memref<1x1x1x8x128xf32, #tpu.memory_space<hbm>>
        %dma_wait3A_858 = tpu.memref_squeeze %dma_wait3A_857 : memref<1x1x1x8x128xf32, #tpu.memory_space<hbm>> -> memref<8x128xf32, #tpu.memory_space<hbm>>
        %dma_wait3A_859 = arith.constant 16 : i32
        %dma_wait3A_860 = arith.constant 0 : i32
        %dma_wait3A_861 = tpu.memref_slice %arg8[%dma_wait3A_845, %dma_wait3A_859, %dma_wait3A_860] : memref<2x64x129xf32, #tpu.memory_space<vmem>> -> memref<1x8x128xf32, #tpu.memory_space<vmem>>
        %dma_wait3A_862 = tpu.memref_squeeze %dma_wait3A_861 : memref<1x8x128xf32, #tpu.memory_space<vmem>> -> memref<8x128xf32, #tpu.memory_space<vmem>>
        tpu.wait_dma2 semaphore(%arg13 : memref<!tpu.dma_semaphore, #tpu.memory_space<semaphore_mem>>) src(%dma_wait3A_862 : memref<8x128xf32, #tpu.memory_space<vmem>>) dst(%dma_wait3A_858 : memref<8x128xf32, #tpu.memory_space<hbm>>)
        %dma_wait3A_863 = arith.constant 1 : i32
        %dma_wait3A_864 = arith.constant 3 : i32
        %dma_wait3A_865 = arith.constant 24 : i32
        %dma_wait3A_866 = arith.constant 0 : i32
        %dma_wait3A_867 = tpu.memref_slice %arg8[%dma_wait3A_863, %dma_wait3A_865, %dma_wait3A_866] : memref<2x64x129xf32, #tpu.memory_space<vmem>> -> memref<1x8x128xf32, #tpu.memory_space<vmem>>
        %dma_wait3A_868 = tpu.memref_squeeze %dma_wait3A_867 : memref<1x8x128xf32, #tpu.memory_space<vmem>> -> memref<8x128xf32, #tpu.memory_space<vmem>>
        %dma_wait3A_869 = arith.constant 0 : i32
        %dma_wait3A_870 = arith.constant 0 : i32
        %dma_wait3A_871 = tpu.memref_slice %arg5[%select_n3A_806, %dma_wait3A_864, %rem3A_808, %dma_wait3A_869, %dma_wait3A_870] : memref<200x8x32x8x128xf32, #tpu.memory_space<hbm>> -> memref<1x1x1x8x128xf32, #tpu.memory_space<hbm>>
        %dma_wait3A_872 = tpu.memref_squeeze %dma_wait3A_871 : memref<1x1x1x8x128xf32, #tpu.memory_space<hbm>> -> memref<8x128xf32, #tpu.memory_space<hbm>>
        %dma_wait3A_873 = arith.constant 0 : i32
        %dma_wait3A_874 = arith.constant 0 : i32
        %dma_wait3A_875 = tpu.memref_slice %arg5[%select_n3A_806, %dma_wait3A_864, %rem3A_808, %dma_wait3A_873, %dma_wait3A_874] : memref<200x8x32x8x128xf32, #tpu.memory_space<hbm>> -> memref<1x1x1x8x128xf32, #tpu.memory_space<hbm>>
        %dma_wait3A_876 = tpu.memref_squeeze %dma_wait3A_875 : memref<1x1x1x8x128xf32, #tpu.memory_space<hbm>> -> memref<8x128xf32, #tpu.memory_space<hbm>>
        %dma_wait3A_877 = arith.constant 24 : i32
        %dma_wait3A_878 = arith.constant 0 : i32
        %dma_wait3A_879 = tpu.memref_slice %arg8[%dma_wait3A_863, %dma_wait3A_877, %dma_wait3A_878] : memref<2x64x129xf32, #tpu.memory_space<vmem>> -> memref<1x8x128xf32, #tpu.memory_space<vmem>>
        %dma_wait3A_880 = tpu.memref_squeeze %dma_wait3A_879 : memref<1x8x128xf32, #tpu.memory_space<vmem>> -> memref<8x128xf32, #tpu.memory_space<vmem>>
        tpu.wait_dma2 semaphore(%arg13 : memref<!tpu.dma_semaphore, #tpu.memory_space<semaphore_mem>>) src(%dma_wait3A_880 : memref<8x128xf32, #tpu.memory_space<vmem>>) dst(%dma_wait3A_876 : memref<8x128xf32, #tpu.memory_space<hbm>>)
        %dma_wait3A_881 = arith.constant 1 : i32
        %dma_wait3A_882 = arith.constant 4 : i32
        %dma_wait3A_883 = arith.constant 32 : i32
        %dma_wait3A_884 = arith.constant 0 : i32
        %dma_wait3A_885 = tpu.memref_slice %arg8[%dma_wait3A_881, %dma_wait3A_883, %dma_wait3A_884] : memref<2x64x129xf32, #tpu.memory_space<vmem>> -> memref<1x8x128xf32, #tpu.memory_space<vmem>>
        %dma_wait3A_886 = tpu.memref_squeeze %dma_wait3A_885 : memref<1x8x128xf32, #tpu.memory_space<vmem>> -> memref<8x128xf32, #tpu.memory_space<vmem>>
        %dma_wait3A_887 = arith.constant 0 : i32
        %dma_wait3A_888 = arith.constant 0 : i32
        %dma_wait3A_889 = tpu.memref_slice %arg5[%select_n3A_806, %dma_wait3A_882, %rem3A_808, %dma_wait3A_887, %dma_wait3A_888] : memref<200x8x32x8x128xf32, #tpu.memory_space<hbm>> -> memref<1x1x1x8x128xf32, #tpu.memory_space<hbm>>
        %dma_wait3A_890 = tpu.memref_squeeze %dma_wait3A_889 : memref<1x1x1x8x128xf32, #tpu.memory_space<hbm>> -> memref<8x128xf32, #tpu.memory_space<hbm>>
        %dma_wait3A_891 = arith.constant 0 : i32
        %dma_wait3A_892 = arith.constant 0 : i32
        %dma_wait3A_893 = tpu.memref_slice %arg5[%select_n3A_806, %dma_wait3A_882, %rem3A_808, %dma_wait3A_891, %dma_wait3A_892] : memref<200x8x32x8x128xf32, #tpu.memory_space<hbm>> -> memref<1x1x1x8x128xf32, #tpu.memory_space<hbm>>
        %dma_wait3A_894 = tpu.memref_squeeze %dma_wait3A_893 : memref<1x1x1x8x128xf32, #tpu.memory_space<hbm>> -> memref<8x128xf32, #tpu.memory_space<hbm>>
        %dma_wait3A_895 = arith.constant 32 : i32
        %dma_wait3A_896 = arith.constant 0 : i32
        %dma_wait3A_897 = tpu.memref_slice %arg8[%dma_wait3A_881, %dma_wait3A_895, %dma_wait3A_896] : memref<2x64x129xf32, #tpu.memory_space<vmem>> -> memref<1x8x128xf32, #tpu.memory_space<vmem>>
        %dma_wait3A_898 = tpu.memref_squeeze %dma_wait3A_897 : memref<1x8x128xf32, #tpu.memory_space<vmem>> -> memref<8x128xf32, #tpu.memory_space<vmem>>
        tpu.wait_dma2 semaphore(%arg13 : memref<!tpu.dma_semaphore, #tpu.memory_space<semaphore_mem>>) src(%dma_wait3A_898 : memref<8x128xf32, #tpu.memory_space<vmem>>) dst(%dma_wait3A_894 : memref<8x128xf32, #tpu.memory_space<hbm>>)
        %dma_wait3A_899 = arith.constant 1 : i32
        %dma_wait3A_900 = arith.constant 5 : i32
        %dma_wait3A_901 = arith.constant 40 : i32
        %dma_wait3A_902 = arith.constant 0 : i32
        %dma_wait3A_903 = tpu.memref_slice %arg8[%dma_wait3A_899, %dma_wait3A_901, %dma_wait3A_902] : memref<2x64x129xf32, #tpu.memory_space<vmem>> -> memref<1x8x128xf32, #tpu.memory_space<vmem>>
        %dma_wait3A_904 = tpu.memref_squeeze %dma_wait3A_903 : memref<1x8x128xf32, #tpu.memory_space<vmem>> -> memref<8x128xf32, #tpu.memory_space<vmem>>
        %dma_wait3A_905 = arith.constant 0 : i32
        %dma_wait3A_906 = arith.constant 0 : i32
        %dma_wait3A_907 = tpu.memref_slice %arg5[%select_n3A_806, %dma_wait3A_900, %rem3A_808, %dma_wait3A_905, %dma_wait3A_906] : memref<200x8x32x8x128xf32, #tpu.memory_space<hbm>> -> memref<1x1x1x8x128xf32, #tpu.memory_space<hbm>>
        %dma_wait3A_908 = tpu.memref_squeeze %dma_wait3A_907 : memref<1x1x1x8x128xf32, #tpu.memory_space<hbm>> -> memref<8x128xf32, #tpu.memory_space<hbm>>
        %dma_wait3A_909 = arith.constant 0 : i32
        %dma_wait3A_910 = arith.constant 0 : i32
        %dma_wait3A_911 = tpu.memref_slice %arg5[%select_n3A_806, %dma_wait3A_900, %rem3A_808, %dma_wait3A_909, %dma_wait3A_910] : memref<200x8x32x8x128xf32, #tpu.memory_space<hbm>> -> memref<1x1x1x8x128xf32, #tpu.memory_space<hbm>>
        %dma_wait3A_912 = tpu.memref_squeeze %dma_wait3A_911 : memref<1x1x1x8x128xf32, #tpu.memory_space<hbm>> -> memref<8x128xf32, #tpu.memory_space<hbm>>
        %dma_wait3A_913 = arith.constant 40 : i32
        %dma_wait3A_914 = arith.constant 0 : i32
        %dma_wait3A_915 = tpu.memref_slice %arg8[%dma_wait3A_899, %dma_wait3A_913, %dma_wait3A_914] : memref<2x64x129xf32, #tpu.memory_space<vmem>> -> memref<1x8x128xf32, #tpu.memory_space<vmem>>
        %dma_wait3A_916 = tpu.memref_squeeze %dma_wait3A_915 : memref<1x8x128xf32, #tpu.memory_space<vmem>> -> memref<8x128xf32, #tpu.memory_space<vmem>>
        tpu.wait_dma2 semaphore(%arg13 : memref<!tpu.dma_semaphore, #tpu.memory_space<semaphore_mem>>) src(%dma_wait3A_916 : memref<8x128xf32, #tpu.memory_space<vmem>>) dst(%dma_wait3A_912 : memref<8x128xf32, #tpu.memory_space<hbm>>)
        %dma_wait3A_917 = arith.constant 1 : i32
        %dma_wait3A_918 = arith.constant 6 : i32
        %dma_wait3A_919 = arith.constant 48 : i32
        %dma_wait3A_920 = arith.constant 0 : i32
        %dma_wait3A_921 = tpu.memref_slice %arg8[%dma_wait3A_917, %dma_wait3A_919, %dma_wait3A_920] : memref<2x64x129xf32, #tpu.memory_space<vmem>> -> memref<1x8x128xf32, #tpu.memory_space<vmem>>
        %dma_wait3A_922 = tpu.memref_squeeze %dma_wait3A_921 : memref<1x8x128xf32, #tpu.memory_space<vmem>> -> memref<8x128xf32, #tpu.memory_space<vmem>>
        %dma_wait3A_923 = arith.constant 0 : i32
        %dma_wait3A_924 = arith.constant 0 : i32
        %dma_wait3A_925 = tpu.memref_slice %arg5[%select_n3A_806, %dma_wait3A_918, %rem3A_808, %dma_wait3A_923, %dma_wait3A_924] : memref<200x8x32x8x128xf32, #tpu.memory_space<hbm>> -> memref<1x1x1x8x128xf32, #tpu.memory_space<hbm>>
        %dma_wait3A_926 = tpu.memref_squeeze %dma_wait3A_925 : memref<1x1x1x8x128xf32, #tpu.memory_space<hbm>> -> memref<8x128xf32, #tpu.memory_space<hbm>>
        %dma_wait3A_927 = arith.constant 0 : i32
        %dma_wait3A_928 = arith.constant 0 : i32
        %dma_wait3A_929 = tpu.memref_slice %arg5[%select_n3A_806, %dma_wait3A_918, %rem3A_808, %dma_wait3A_927, %dma_wait3A_928] : memref<200x8x32x8x128xf32, #tpu.memory_space<hbm>> -> memref<1x1x1x8x128xf32, #tpu.memory_space<hbm>>
        %dma_wait3A_930 = tpu.memref_squeeze %dma_wait3A_929 : memref<1x1x1x8x128xf32, #tpu.memory_space<hbm>> -> memref<8x128xf32, #tpu.memory_space<hbm>>
        %dma_wait3A_931 = arith.constant 48 : i32
        %dma_wait3A_932 = arith.constant 0 : i32
        %dma_wait3A_933 = tpu.memref_slice %arg8[%dma_wait3A_917, %dma_wait3A_931, %dma_wait3A_932] : memref<2x64x129xf32, #tpu.memory_space<vmem>> -> memref<1x8x128xf32, #tpu.memory_space<vmem>>
        %dma_wait3A_934 = tpu.memref_squeeze %dma_wait3A_933 : memref<1x8x128xf32, #tpu.memory_space<vmem>> -> memref<8x128xf32, #tpu.memory_space<vmem>>
        tpu.wait_dma2 semaphore(%arg13 : memref<!tpu.dma_semaphore, #tpu.memory_space<semaphore_mem>>) src(%dma_wait3A_934 : memref<8x128xf32, #tpu.memory_space<vmem>>) dst(%dma_wait3A_930 : memref<8x128xf32, #tpu.memory_space<hbm>>)
        %dma_wait3A_935 = arith.constant 1 : i32
        %dma_wait3A_936 = arith.constant 7 : i32
        %dma_wait3A_937 = arith.constant 56 : i32
        %dma_wait3A_938 = arith.constant 0 : i32
        %dma_wait3A_939 = tpu.memref_slice %arg8[%dma_wait3A_935, %dma_wait3A_937, %dma_wait3A_938] : memref<2x64x129xf32, #tpu.memory_space<vmem>> -> memref<1x8x128xf32, #tpu.memory_space<vmem>>
        %dma_wait3A_940 = tpu.memref_squeeze %dma_wait3A_939 : memref<1x8x128xf32, #tpu.memory_space<vmem>> -> memref<8x128xf32, #tpu.memory_space<vmem>>
        %dma_wait3A_941 = arith.constant 0 : i32
        %dma_wait3A_942 = arith.constant 0 : i32
        %dma_wait3A_943 = tpu.memref_slice %arg5[%select_n3A_806, %dma_wait3A_936, %rem3A_808, %dma_wait3A_941, %dma_wait3A_942] : memref<200x8x32x8x128xf32, #tpu.memory_space<hbm>> -> memref<1x1x1x8x128xf32, #tpu.memory_space<hbm>>
        %dma_wait3A_944 = tpu.memref_squeeze %dma_wait3A_943 : memref<1x1x1x8x128xf32, #tpu.memory_space<hbm>> -> memref<8x128xf32, #tpu.memory_space<hbm>>
        %dma_wait3A_945 = arith.constant 0 : i32
        %dma_wait3A_946 = arith.constant 0 : i32
        %dma_wait3A_947 = tpu.memref_slice %arg5[%select_n3A_806, %dma_wait3A_936, %rem3A_808, %dma_wait3A_945, %dma_wait3A_946] : memref<200x8x32x8x128xf32, #tpu.memory_space<hbm>> -> memref<1x1x1x8x128xf32, #tpu.memory_space<hbm>>
        %dma_wait3A_948 = tpu.memref_squeeze %dma_wait3A_947 : memref<1x1x1x8x128xf32, #tpu.memory_space<hbm>> -> memref<8x128xf32, #tpu.memory_space<hbm>>
        %dma_wait3A_949 = arith.constant 56 : i32
        %dma_wait3A_950 = arith.constant 0 : i32
        %dma_wait3A_951 = tpu.memref_slice %arg8[%dma_wait3A_935, %dma_wait3A_949, %dma_wait3A_950] : memref<2x64x129xf32, #tpu.memory_space<vmem>> -> memref<1x8x128xf32, #tpu.memory_space<vmem>>
        %dma_wait3A_952 = tpu.memref_squeeze %dma_wait3A_951 : memref<1x8x128xf32, #tpu.memory_space<vmem>> -> memref<8x128xf32, #tpu.memory_space<vmem>>
        tpu.wait_dma2 semaphore(%arg13 : memref<!tpu.dma_semaphore, #tpu.memory_space<semaphore_mem>>) src(%dma_wait3A_952 : memref<8x128xf32, #tpu.memory_space<vmem>>) dst(%dma_wait3A_948 : memref<8x128xf32, #tpu.memory_space<hbm>>)
      } else {
      }
      %iota3A_616 = tpu.iota {dimensions = array<i32: 0>} : vector<16xi32>
      %get3A_617 = arith.index_cast %select_n3A_597 : i32 to index
      %get3A_618 = arith.constant 0 : index
      %get3A_619 = tpu.vector_load %arg9[%get3A_617, %get3A_618] {strides = array<i32>} : memref<200x64xf32, #tpu.memory_space<vmem>>, vector<16xf32>,
      %get3A_620 = arith.index_cast %select_n3A_597 : i32 to index
      %get3A_621 = arith.constant 16 : index
      %get3A_622 = tpu.vector_load %arg9[%get3A_620, %get3A_621] {strides = array<i32>} : memref<200x64xf32, #tpu.memory_space<vmem>>, vector<16xf32>,
      %get3A_623 = arith.index_cast %select_n3A_597 : i32 to index
      %get3A_624 = arith.constant 32 : index
      %get3A_625 = tpu.vector_load %arg9[%get3A_623, %get3A_624] {strides = array<i32>} : memref<200x64xf32, #tpu.memory_space<vmem>>, vector<16xf32>,
      %get3A_626 = arith.index_cast %select_n3A_597 : i32 to index
      %get3A_627 = arith.constant 48 : index
      %get3A_628 = tpu.vector_load %arg9[%get3A_626, %get3A_627] {strides = array<i32>} : memref<200x64xf32, #tpu.memory_space<vmem>>, vector<16xf32>,
      %dma_start3A_629 = arith.constant 1 : i32
      %dma_start3A_630 = arith.constant 0 : i32
      %dma_start3A_631 = arith.constant 0 : i32
      %dma_start3A_632 = arith.constant 0 : i32
      %dma_start3A_633 = tpu.memref_slice %arg8[%dma_start3A_629, %dma_start3A_631, %dma_start3A_632] : memref<2x64x129xf32, #tpu.memory_space<vmem>> -> memref<1x8x128xf32, #tpu.memory_space<vmem>>
      %dma_start3A_634 = tpu.memref_squeeze %dma_start3A_633 : memref<1x8x128xf32, #tpu.memory_space<vmem>> -> memref<8x128xf32, #tpu.memory_space<vmem>>
      %dma_start3A_635 = arith.constant 0 : i32
      %dma_start3A_636 = arith.constant 0 : i32
      %dma_start3A_637 = tpu.memref_slice %arg5[%select_n3A_597, %dma_start3A_630, %rem3A_599, %dma_start3A_635, %dma_start3A_636] : memref<200x8x32x8x128xf32, #tpu.memory_space<hbm>> -> memref<1x1x1x8x128xf32, #tpu.memory_space<hbm>>
      %dma_start3A_638 = tpu.memref_squeeze %dma_start3A_637 : memref<1x1x1x8x128xf32, #tpu.memory_space<hbm>> -> memref<8x128xf32, #tpu.memory_space<hbm>>
      %dma_start3A_639 = arith.constant 0 : i32
      %dma_start3A_640 = arith.constant 0 : i32
      %dma_start3A_641 = tpu.memref_slice %arg5[%select_n3A_597, %dma_start3A_630, %rem3A_599, %dma_start3A_639, %dma_start3A_640] : memref<200x8x32x8x128xf32, #tpu.memory_space<hbm>> -> memref<1x1x1x8x128xf32, #tpu.memory_space<hbm>>
      %dma_start3A_642 = tpu.memref_squeeze %dma_start3A_641 : memref<1x1x1x8x128xf32, #tpu.memory_space<hbm>> -> memref<8x128xf32, #tpu.memory_space<hbm>>
      %dma_start3A_643 = arith.constant 0 : i32
      %dma_start3A_644 = arith.constant 0 : i32
      %dma_start3A_645 = tpu.memref_slice %arg8[%dma_start3A_629, %dma_start3A_643, %dma_start3A_644] : memref<2x64x129xf32, #tpu.memory_space<vmem>> -> memref<1x8x128xf32, #tpu.memory_space<vmem>>
      %dma_start3A_646 = tpu.memref_squeeze %dma_start3A_645 : memref<1x8x128xf32, #tpu.memory_space<vmem>> -> memref<8x128xf32, #tpu.memory_space<vmem>>
      tpu.enqueue_dma source(%dma_start3A_646 : memref<8x128xf32, #tpu.memory_space<vmem>>) target(%dma_start3A_642 : memref<8x128xf32, #tpu.memory_space<hbm>>) target_semaphore(%arg13 : memref<!tpu.dma_semaphore, #tpu.memory_space<semaphore_mem>>)
      %dma_start3A_647 = arith.constant 1 : i32
      %dma_start3A_648 = arith.constant 1 : i32
      %dma_start3A_649 = arith.constant 8 : i32
      %dma_start3A_650 = arith.constant 0 : i32
      %dma_start3A_651 = tpu.memref_slice %arg8[%dma_start3A_647, %dma_start3A_649, %dma_start3A_650] : memref<2x64x129xf32, #tpu.memory_space<vmem>> -> memref<1x8x128xf32, #tpu.memory_space<vmem>>
      %dma_start3A_652 = tpu.memref_squeeze %dma_start3A_651 : memref<1x8x128xf32, #tpu.memory_space<vmem>> -> memref<8x128xf32, #tpu.memory_space<vmem>>
      %dma_start3A_653 = arith.constant 0 : i32
      %dma_start3A_654 = arith.constant 0 : i32
      %dma_start3A_655 = tpu.memref_slice %arg5[%select_n3A_597, %dma_start3A_648, %rem3A_599, %dma_start3A_653, %dma_start3A_654] : memref<200x8x32x8x128xf32, #tpu.memory_space<hbm>> -> memref<1x1x1x8x128xf32, #tpu.memory_space<hbm>>
      %dma_start3A_656 = tpu.memref_squeeze %dma_start3A_655 : memref<1x1x1x8x128xf32, #tpu.memory_space<hbm>> -> memref<8x128xf32, #tpu.memory_space<hbm>>
      %dma_start3A_657 = arith.constant 0 : i32
      %dma_start3A_658 = arith.constant 0 : i32
      %dma_start3A_659 = tpu.memref_slice %arg5[%select_n3A_597, %dma_start3A_648, %rem3A_599, %dma_start3A_657, %dma_start3A_658] : memref<200x8x32x8x128xf32, #tpu.memory_space<hbm>> -> memref<1x1x1x8x128xf32, #tpu.memory_space<hbm>>
      %dma_start3A_660 = tpu.memref_squeeze %dma_start3A_659 : memref<1x1x1x8x128xf32, #tpu.memory_space<hbm>> -> memref<8x128xf32, #tpu.memory_space<hbm>>
      %dma_start3A_661 = arith.constant 8 : i32
      %dma_start3A_662 = arith.constant 0 : i32
      %dma_start3A_663 = tpu.memref_slice %arg8[%dma_start3A_647, %dma_start3A_661, %dma_start3A_662] : memref<2x64x129xf32, #tpu.memory_space<vmem>> -> memref<1x8x128xf32, #tpu.memory_space<vmem>>
      %dma_start3A_664 = tpu.memref_squeeze %dma_start3A_663 : memref<1x8x128xf32, #tpu.memory_space<vmem>> -> memref<8x128xf32, #tpu.memory_space<vmem>>
      tpu.enqueue_dma source(%dma_start3A_664 : memref<8x128xf32, #tpu.memory_space<vmem>>) target(%dma_start3A_660 : memref<8x128xf32, #tpu.memory_space<hbm>>) target_semaphore(%arg13 : memref<!tpu.dma_semaphore, #tpu.memory_space<semaphore_mem>>)
      %dma_start3A_665 = arith.constant 1 : i32
      %dma_start3A_666 = arith.constant 2 : i32
      %dma_start3A_667 = arith.constant 16 : i32
      %dma_start3A_668 = arith.constant 0 : i32
      %dma_start3A_669 = tpu.memref_slice %arg8[%dma_start3A_665, %dma_start3A_667, %dma_start3A_668] : memref<2x64x129xf32, #tpu.memory_space<vmem>> -> memref<1x8x128xf32, #tpu.memory_space<vmem>>
      %dma_start3A_670 = tpu.memref_squeeze %dma_start3A_669 : memref<1x8x128xf32, #tpu.memory_space<vmem>> -> memref<8x128xf32, #tpu.memory_space<vmem>>
      %dma_start3A_671 = arith.constant 0 : i32
      %dma_start3A_672 = arith.constant 0 : i32
      %dma_start3A_673 = tpu.memref_slice %arg5[%select_n3A_597, %dma_start3A_666, %rem3A_599, %dma_start3A_671, %dma_start3A_672] : memref<200x8x32x8x128xf32, #tpu.memory_space<hbm>> -> memref<1x1x1x8x128xf32, #tpu.memory_space<hbm>>
      %dma_start3A_674 = tpu.memref_squeeze %dma_start3A_673 : memref<1x1x1x8x128xf32, #tpu.memory_space<hbm>> -> memref<8x128xf32, #tpu.memory_space<hbm>>
      %dma_start3A_675 = arith.constant 0 : i32
      %dma_start3A_676 = arith.constant 0 : i32
      %dma_start3A_677 = tpu.memref_slice %arg5[%select_n3A_597, %dma_start3A_666, %rem3A_599, %dma_start3A_675, %dma_start3A_676] : memref<200x8x32x8x128xf32, #tpu.memory_space<hbm>> -> memref<1x1x1x8x128xf32, #tpu.memory_space<hbm>>
      %dma_start3A_678 = tpu.memref_squeeze %dma_start3A_677 : memref<1x1x1x8x128xf32, #tpu.memory_space<hbm>> -> memref<8x128xf32, #tpu.memory_space<hbm>>
      %dma_start3A_679 = arith.constant 16 : i32
      %dma_start3A_680 = arith.constant 0 : i32
      %dma_start3A_681 = tpu.memref_slice %arg8[%dma_start3A_665, %dma_start3A_679, %dma_start3A_680] : memref<2x64x129xf32, #tpu.memory_space<vmem>> -> memref<1x8x128xf32, #tpu.memory_space<vmem>>
      %dma_start3A_682 = tpu.memref_squeeze %dma_start3A_681 : memref<1x8x128xf32, #tpu.memory_space<vmem>> -> memref<8x128xf32, #tpu.memory_space<vmem>>
      tpu.enqueue_dma source(%dma_start3A_682 : memref<8x128xf32, #tpu.memory_space<vmem>>) target(%dma_start3A_678 : memref<8x128xf32, #tpu.memory_space<hbm>>) target_semaphore(%arg13 : memref<!tpu.dma_semaphore, #tpu.memory_space<semaphore_mem>>)
      %dma_start3A_683 = arith.constant 1 : i32
      %dma_start3A_684 = arith.constant 3 : i32
      %dma_start3A_685 = arith.constant 24 : i32
      %dma_start3A_686 = arith.constant 0 : i32
      %dma_start3A_687 = tpu.memref_slice %arg8[%dma_start3A_683, %dma_start3A_685, %dma_start3A_686] : memref<2x64x129xf32, #tpu.memory_space<vmem>> -> memref<1x8x128xf32, #tpu.memory_space<vmem>>
      %dma_start3A_688 = tpu.memref_squeeze %dma_start3A_687 : memref<1x8x128xf32, #tpu.memory_space<vmem>> -> memref<8x128xf32, #tpu.memory_space<vmem>>
      %dma_start3A_689 = arith.constant 0 : i32
      %dma_start3A_690 = arith.constant 0 : i32
      %dma_start3A_691 = tpu.memref_slice %arg5[%select_n3A_597, %dma_start3A_684, %rem3A_599, %dma_start3A_689, %dma_start3A_690] : memref<200x8x32x8x128xf32, #tpu.memory_space<hbm>> -> memref<1x1x1x8x128xf32, #tpu.memory_space<hbm>>
      %dma_start3A_692 = tpu.memref_squeeze %dma_start3A_691 : memref<1x1x1x8x128xf32, #tpu.memory_space<hbm>> -> memref<8x128xf32, #tpu.memory_space<hbm>>
      %dma_start3A_693 = arith.constant 0 : i32
      %dma_start3A_694 = arith.constant 0 : i32
      %dma_start3A_695 = tpu.memref_slice %arg5[%select_n3A_597, %dma_start3A_684, %rem3A_599, %dma_start3A_693, %dma_start3A_694] : memref<200x8x32x8x128xf32, #tpu.memory_space<hbm>> -> memref<1x1x1x8x128xf32, #tpu.memory_space<hbm>>
      %dma_start3A_696 = tpu.memref_squeeze %dma_start3A_695 : memref<1x1x1x8x128xf32, #tpu.memory_space<hbm>> -> memref<8x128xf32, #tpu.memory_space<hbm>>
      %dma_start3A_697 = arith.constant 24 : i32
      %dma_start3A_698 = arith.constant 0 : i32
      %dma_start3A_699 = tpu.memref_slice %arg8[%dma_start3A_683, %dma_start3A_697, %dma_start3A_698] : memref<2x64x129xf32, #tpu.memory_space<vmem>> -> memref<1x8x128xf32, #tpu.memory_space<vmem>>
      %dma_start3A_700 = tpu.memref_squeeze %dma_start3A_699 : memref<1x8x128xf32, #tpu.memory_space<vmem>> -> memref<8x128xf32, #tpu.memory_space<vmem>>
      tpu.enqueue_dma source(%dma_start3A_700 : memref<8x128xf32, #tpu.memory_space<vmem>>) target(%dma_start3A_696 : memref<8x128xf32, #tpu.memory_space<hbm>>) target_semaphore(%arg13 : memref<!tpu.dma_semaphore, #tpu.memory_space<semaphore_mem>>)
      %dma_start3A_701 = arith.constant 1 : i32
      %dma_start3A_702 = arith.constant 4 : i32
      %dma_start3A_703 = arith.constant 32 : i32
      %dma_start3A_704 = arith.constant 0 : i32
      %dma_start3A_705 = tpu.memref_slice %arg8[%dma_start3A_701, %dma_start3A_703, %dma_start3A_704] : memref<2x64x129xf32, #tpu.memory_space<vmem>> -> memref<1x8x128xf32, #tpu.memory_space<vmem>>
      %dma_start3A_706 = tpu.memref_squeeze %dma_start3A_705 : memref<1x8x128xf32, #tpu.memory_space<vmem>> -> memref<8x128xf32, #tpu.memory_space<vmem>>
      %dma_start3A_707 = arith.constant 0 : i32
      %dma_start3A_708 = arith.constant 0 : i32
      %dma_start3A_709 = tpu.memref_slice %arg5[%select_n3A_597, %dma_start3A_702, %rem3A_599, %dma_start3A_707, %dma_start3A_708] : memref<200x8x32x8x128xf32, #tpu.memory_space<hbm>> -> memref<1x1x1x8x128xf32, #tpu.memory_space<hbm>>
      %dma_start3A_710 = tpu.memref_squeeze %dma_start3A_709 : memref<1x1x1x8x128xf32, #tpu.memory_space<hbm>> -> memref<8x128xf32, #tpu.memory_space<hbm>>
      %dma_start3A_711 = arith.constant 0 : i32
      %dma_start3A_712 = arith.constant 0 : i32
      %dma_start3A_713 = tpu.memref_slice %arg5[%select_n3A_597, %dma_start3A_702, %rem3A_599, %dma_start3A_711, %dma_start3A_712] : memref<200x8x32x8x128xf32, #tpu.memory_space<hbm>> -> memref<1x1x1x8x128xf32, #tpu.memory_space<hbm>>
      %dma_start3A_714 = tpu.memref_squeeze %dma_start3A_713 : memref<1x1x1x8x128xf32, #tpu.memory_space<hbm>> -> memref<8x128xf32, #tpu.memory_space<hbm>>
      %dma_start3A_715 = arith.constant 32 : i32
      %dma_start3A_716 = arith.constant 0 : i32
      %dma_start3A_717 = tpu.memref_slice %arg8[%dma_start3A_701, %dma_start3A_715, %dma_start3A_716] : memref<2x64x129xf32, #tpu.memory_space<vmem>> -> memref<1x8x128xf32, #tpu.memory_space<vmem>>
      %dma_start3A_718 = tpu.memref_squeeze %dma_start3A_717 : memref<1x8x128xf32, #tpu.memory_space<vmem>> -> memref<8x128xf32, #tpu.memory_space<vmem>>
      tpu.enqueue_dma source(%dma_start3A_718 : memref<8x128xf32, #tpu.memory_space<vmem>>) target(%dma_start3A_714 : memref<8x128xf32, #tpu.memory_space<hbm>>) target_semaphore(%arg13 : memref<!tpu.dma_semaphore, #tpu.memory_space<semaphore_mem>>)
      %dma_start3A_719 = arith.constant 1 : i32
      %dma_start3A_720 = arith.constant 5 : i32
      %dma_start3A_721 = arith.constant 40 : i32
      %dma_start3A_722 = arith.constant 0 : i32
      %dma_start3A_723 = tpu.memref_slice %arg8[%dma_start3A_719, %dma_start3A_721, %dma_start3A_722] : memref<2x64x129xf32, #tpu.memory_space<vmem>> -> memref<1x8x128xf32, #tpu.memory_space<vmem>>
      %dma_start3A_724 = tpu.memref_squeeze %dma_start3A_723 : memref<1x8x128xf32, #tpu.memory_space<vmem>> -> memref<8x128xf32, #tpu.memory_space<vmem>>
      %dma_start3A_725 = arith.constant 0 : i32
      %dma_start3A_726 = arith.constant 0 : i32
      %dma_start3A_727 = tpu.memref_slice %arg5[%select_n3A_597, %dma_start3A_720, %rem3A_599, %dma_start3A_725, %dma_start3A_726] : memref<200x8x32x8x128xf32, #tpu.memory_space<hbm>> -> memref<1x1x1x8x128xf32, #tpu.memory_space<hbm>>
      %dma_start3A_728 = tpu.memref_squeeze %dma_start3A_727 : memref<1x1x1x8x128xf32, #tpu.memory_space<hbm>> -> memref<8x128xf32, #tpu.memory_space<hbm>>
      %dma_start3A_729 = arith.constant 0 : i32
      %dma_start3A_730 = arith.constant 0 : i32
      %dma_start3A_731 = tpu.memref_slice %arg5[%select_n3A_597, %dma_start3A_720, %rem3A_599, %dma_start3A_729, %dma_start3A_730] : memref<200x8x32x8x128xf32, #tpu.memory_space<hbm>> -> memref<1x1x1x8x128xf32, #tpu.memory_space<hbm>>
      %dma_start3A_732 = tpu.memref_squeeze %dma_start3A_731 : memref<1x1x1x8x128xf32, #tpu.memory_space<hbm>> -> memref<8x128xf32, #tpu.memory_space<hbm>>
      %dma_start3A_733 = arith.constant 40 : i32
      %dma_start3A_734 = arith.constant 0 : i32
      %dma_start3A_735 = tpu.memref_slice %arg8[%dma_start3A_719, %dma_start3A_733, %dma_start3A_734] : memref<2x64x129xf32, #tpu.memory_space<vmem>> -> memref<1x8x128xf32, #tpu.memory_space<vmem>>
      %dma_start3A_736 = tpu.memref_squeeze %dma_start3A_735 : memref<1x8x128xf32, #tpu.memory_space<vmem>> -> memref<8x128xf32, #tpu.memory_space<vmem>>
      tpu.enqueue_dma source(%dma_start3A_736 : memref<8x128xf32, #tpu.memory_space<vmem>>) target(%dma_start3A_732 : memref<8x128xf32, #tpu.memory_space<hbm>>) target_semaphore(%arg13 : memref<!tpu.dma_semaphore, #tpu.memory_space<semaphore_mem>>)
      %dma_start3A_737 = arith.constant 1 : i32
      %dma_start3A_738 = arith.constant 6 : i32
      %dma_start3A_739 = arith.constant 48 : i32
      %dma_start3A_740 = arith.constant 0 : i32
      %dma_start3A_741 = tpu.memref_slice %arg8[%dma_start3A_737, %dma_start3A_739, %dma_start3A_740] : memref<2x64x129xf32, #tpu.memory_space<vmem>> -> memref<1x8x128xf32, #tpu.memory_space<vmem>>
      %dma_start3A_742 = tpu.memref_squeeze %dma_start3A_741 : memref<1x8x128xf32, #tpu.memory_space<vmem>> -> memref<8x128xf32, #tpu.memory_space<vmem>>
      %dma_start3A_743 = arith.constant 0 : i32
      %dma_start3A_744 = arith.constant 0 : i32
      %dma_start3A_745 = tpu.memref_slice %arg5[%select_n3A_597, %dma_start3A_738, %rem3A_599, %dma_start3A_743, %dma_start3A_744] : memref<200x8x32x8x128xf32, #tpu.memory_space<hbm>> -> memref<1x1x1x8x128xf32, #tpu.memory_space<hbm>>
      %dma_start3A_746 = tpu.memref_squeeze %dma_start3A_745 : memref<1x1x1x8x128xf32, #tpu.memory_space<hbm>> -> memref<8x128xf32, #tpu.memory_space<hbm>>
      %dma_start3A_747 = arith.constant 0 : i32
      %dma_start3A_748 = arith.constant 0 : i32
      %dma_start3A_749 = tpu.memref_slice %arg5[%select_n3A_597, %dma_start3A_738, %rem3A_599, %dma_start3A_747, %dma_start3A_748] : memref<200x8x32x8x128xf32, #tpu.memory_space<hbm>> -> memref<1x1x1x8x128xf32, #tpu.memory_space<hbm>>
      %dma_start3A_750 = tpu.memref_squeeze %dma_start3A_749 : memref<1x1x1x8x128xf32, #tpu.memory_space<hbm>> -> memref<8x128xf32, #tpu.memory_space<hbm>>
      %dma_start3A_751 = arith.constant 48 : i32
      %dma_start3A_752 = arith.constant 0 : i32
      %dma_start3A_753 = tpu.memref_slice %arg8[%dma_start3A_737, %dma_start3A_751, %dma_start3A_752] : memref<2x64x129xf32, #tpu.memory_space<vmem>> -> memref<1x8x128xf32, #tpu.memory_space<vmem>>
      %dma_start3A_754 = tpu.memref_squeeze %dma_start3A_753 : memref<1x8x128xf32, #tpu.memory_space<vmem>> -> memref<8x128xf32, #tpu.memory_space<vmem>>
      tpu.enqueue_dma source(%dma_start3A_754 : memref<8x128xf32, #tpu.memory_space<vmem>>) target(%dma_start3A_750 : memref<8x128xf32, #tpu.memory_space<hbm>>) target_semaphore(%arg13 : memref<!tpu.dma_semaphore, #tpu.memory_space<semaphore_mem>>)
      %dma_start3A_755 = arith.constant 1 : i32
      %dma_start3A_756 = arith.constant 7 : i32
      %dma_start3A_757 = arith.constant 56 : i32
      %dma_start3A_758 = arith.constant 0 : i32
      %dma_start3A_759 = tpu.memref_slice %arg8[%dma_start3A_755, %dma_start3A_757, %dma_start3A_758] : memref<2x64x129xf32, #tpu.memory_space<vmem>> -> memref<1x8x128xf32, #tpu.memory_space<vmem>>
      %dma_start3A_760 = tpu.memref_squeeze %dma_start3A_759 : memref<1x8x128xf32, #tpu.memory_space<vmem>> -> memref<8x128xf32, #tpu.memory_space<vmem>>
      %dma_start3A_761 = arith.constant 0 : i32
      %dma_start3A_762 = arith.constant 0 : i32
      %dma_start3A_763 = tpu.memref_slice %arg5[%select_n3A_597, %dma_start3A_756, %rem3A_599, %dma_start3A_761, %dma_start3A_762] : memref<200x8x32x8x128xf32, #tpu.memory_space<hbm>> -> memref<1x1x1x8x128xf32, #tpu.memory_space<hbm>>
      %dma_start3A_764 = tpu.memref_squeeze %dma_start3A_763 : memref<1x1x1x8x128xf32, #tpu.memory_space<hbm>> -> memref<8x128xf32, #tpu.memory_space<hbm>>
      %dma_start3A_765 = arith.constant 0 : i32
      %dma_start3A_766 = arith.constant 0 : i32
      %dma_start3A_767 = tpu.memref_slice %arg5[%select_n3A_597, %dma_start3A_756, %rem3A_599, %dma_start3A_765, %dma_start3A_766] : memref<200x8x32x8x128xf32, #tpu.memory_space<hbm>> -> memref<1x1x1x8x128xf32, #tpu.memory_space<hbm>>
      %dma_start3A_768 = tpu.memref_squeeze %dma_start3A_767 : memref<1x1x1x8x128xf32, #tpu.memory_space<hbm>> -> memref<8x128xf32, #tpu.memory_space<hbm>>
      %dma_start3A_769 = arith.constant 56 : i32
      %dma_start3A_770 = arith.constant 0 : i32
      %dma_start3A_771 = tpu.memref_slice %arg8[%dma_start3A_755, %dma_start3A_769, %dma_start3A_770] : memref<2x64x129xf32, #tpu.memory_space<vmem>> -> memref<1x8x128xf32, #tpu.memory_space<vmem>>
      %dma_start3A_772 = tpu.memref_squeeze %dma_start3A_771 : memref<1x8x128xf32, #tpu.memory_space<vmem>> -> memref<8x128xf32, #tpu.memory_space<vmem>>
      tpu.enqueue_dma source(%dma_start3A_772 : memref<8x128xf32, #tpu.memory_space<vmem>>) target(%dma_start3A_768 : memref<8x128xf32, #tpu.memory_space<hbm>>) target_semaphore(%arg13 : memref<!tpu.dma_semaphore, #tpu.memory_space<semaphore_mem>>)
      %add3A_773 = arith.constant 2 : i32
      %add3A_774 = arith.addi %add3A_572, %add3A_773 : i32
      %lt3A_775 = arith.constant 200 : i32
      %lt3A_776 = arith.cmpi slt, %add3A_774, %lt3A_775 : i32
      %convert_element_type3A_777 = arith.extui %lt3A_776 : i1 to i32
      %cond3A_778 = arith.constant 0 : i32
      %cond3A_779 = arith.cmpi ne, %convert_element_type3A_777, %cond3A_778 : i32
      scf.if %cond3A_779 {
        %mul3A_780 = arith.constant 128 : i32
        %mul3A_781 = arith.muli %add3A_774, %mul3A_780 : i32
        %dma_start3A_782 = arith.constant 1 : i32
        %dma_start3A_783 = arith.constant 0 : i32
        %dma_start3A_784 = arith.constant 0 : i32
        %dma_start3A_785 = tpu.memref_slice %arg7[%dma_start3A_782, %dma_start3A_783, %dma_start3A_784] : memref<2x128x128xf32, #tpu.memory_space<vmem>> -> memref<1x128x128xf32, #tpu.memory_space<vmem>>
        %dma_start3A_786 = tpu.memref_squeeze %dma_start3A_785 : memref<1x128x128xf32, #tpu.memory_space<vmem>> -> memref<128x128xf32, #tpu.memory_space<vmem>>
        %dma_start3A_787 = tpu.memref_slice %arg6[%mul3A_781] : memref<25600xi32, #tpu.memory_space<vmem>> -> memref<128xi32, #tpu.memory_space<vmem>>
        %dma_start3A_788 = arith.constant 0 : i32
        %dma_start3A_789 = arith.constant 0 : i32
        %dma_start3A_790 = tpu.memref_slice %arg3[%dma_start3A_788, %dma_start3A_789] : memref<1000000x128xf32, #tpu.memory_space<hbm>> -> memref<1000000x128xf32, #tpu.memory_space<hbm>>
        tpu.enqueue_indirect_dma source(%dma_start3A_790 : memref<1000000x128xf32, #tpu.memory_space<hbm>>) target(%dma_start3A_786 : memref<128x128xf32, #tpu.memory_space<vmem>>) offsets(%dma_start3A_787 : memref<128xi32, #tpu.memory_space<vmem>>) semaphore(%arg11 : memref<!tpu.dma_semaphore, #tpu.memory_space<semaphore_mem>>)
      } else {
      }
    }
    %scan3A_27 = arith.constant 100 : i32
    %add3A_28 = arith.constant 198 : i32
    %add3A_29 = arith.addi %mul3A_4, %add3A_28 : i32
    %jit3A = arith.constant 32 : i32
    %div3A = arith.divsi %add3A_29, %jit3A : i32
    %sign3A = arith.constant 0 : i32
    %sign3A_30 = arith.cmpi sgt, %add3A_29, %sign3A : i32
    %sign3A_31 = arith.extui %sign3A_30 : i1 to i32
    %sign3A_32 = arith.constant 0 : i32
    %sign3A_33 = arith.cmpi slt, %add3A_29, %sign3A_32 : i32
    %sign3A_34 = arith.extui %sign3A_33 : i1 to i32
    %sign3A_35 = arith.subi %sign3A_31, %sign3A_34 : i32
    %sign3A_36 = arith.constant 0 : i32
    %sign3A_37 = arith.cmpi sgt, %jit3A, %sign3A_36 : i32
    %sign3A_38 = arith.extui %sign3A_37 : i1 to i32
    %sign3A_39 = arith.constant 0 : i32
    %sign3A_40 = arith.cmpi slt, %jit3A, %sign3A_39 : i32
    %sign3A_41 = arith.extui %sign3A_40 : i1 to i32
    %sign3A_42 = arith.subi %sign3A_38, %sign3A_41 : i32
    %ne3A = arith.cmpi ne, %sign3A_35, %sign3A_42 : i32
    %rem3A = arith.remsi %add3A_29, %jit3A : i32
    %ne3A_43 = arith.constant 0 : i32
    %ne3A_44 = arith.cmpi ne, %rem3A, %ne3A_43 : i32
    %and3A = arith.andi %ne3A, %ne3A_44 : i1
    %sub3A = arith.constant 1 : i32
    %sub3A_45 = arith.subi %div3A, %sub3A : i32
    %select_n3A = arith.select %and3A, %sub3A_45, %div3A : i32
    %rem3A_46 = arith.constant 32 : i32
    %rem3A_47 = arith.remsi %add3A_29, %rem3A_46 : i32
    %dma_wait3A = arith.constant 0 : i32
    %dma_wait3A_48 = arith.constant 0 : i32
    %dma_wait3A_49 = arith.constant 0 : i32
    %dma_wait3A_50 = arith.constant 0 : i32
    %dma_wait3A_51 = tpu.memref_slice %arg8[%dma_wait3A, %dma_wait3A_49, %dma_wait3A_50] : memref<2x64x129xf32, #tpu.memory_space<vmem>> -> memref<1x8x128xf32, #tpu.memory_space<vmem>>
    %dma_wait3A_52 = tpu.memref_squeeze %dma_wait3A_51 : memref<1x8x128xf32, #tpu.memory_space<vmem>> -> memref<8x128xf32, #tpu.memory_space<vmem>>
    %dma_wait3A_53 = arith.constant 0 : i32
    %dma_wait3A_54 = arith.constant 0 : i32
    %dma_wait3A_55 = tpu.memref_slice %arg5[%select_n3A, %dma_wait3A_48, %rem3A_47, %dma_wait3A_53, %dma_wait3A_54] : memref<200x8x32x8x128xf32, #tpu.memory_space<hbm>> -> memref<1x1x1x8x128xf32, #tpu.memory_space<hbm>>
    %dma_wait3A_56 = tpu.memref_squeeze %dma_wait3A_55 : memref<1x1x1x8x128xf32, #tpu.memory_space<hbm>> -> memref<8x128xf32, #tpu.memory_space<hbm>>
    %dma_wait3A_57 = arith.constant 0 : i32
    %dma_wait3A_58 = arith.constant 0 : i32
    %dma_wait3A_59 = tpu.memref_slice %arg5[%select_n3A, %dma_wait3A_48, %rem3A_47, %dma_wait3A_57, %dma_wait3A_58] : memref<200x8x32x8x128xf32, #tpu.memory_space<hbm>> -> memref<1x1x1x8x128xf32, #tpu.memory_space<hbm>>
    %dma_wait3A_60 = tpu.memref_squeeze %dma_wait3A_59 : memref<1x1x1x8x128xf32, #tpu.memory_space<hbm>> -> memref<8x128xf32, #tpu.memory_space<hbm>>
    %dma_wait3A_61 = arith.constant 0 : i32
    %dma_wait3A_62 = arith.constant 0 : i32
    %dma_wait3A_63 = tpu.memref_slice %arg8[%dma_wait3A, %dma_wait3A_61, %dma_wait3A_62] : memref<2x64x129xf32, #tpu.memory_space<vmem>> -> memref<1x8x128xf32, #tpu.memory_space<vmem>>
    %dma_wait3A_64 = tpu.memref_squeeze %dma_wait3A_63 : memref<1x8x128xf32, #tpu.memory_space<vmem>> -> memref<8x128xf32, #tpu.memory_space<vmem>>
    tpu.wait_dma2 semaphore(%arg12 : memref<!tpu.dma_semaphore, #tpu.memory_space<semaphore_mem>>) src(%dma_wait3A_64 : memref<8x128xf32, #tpu.memory_space<vmem>>) dst(%dma_wait3A_60 : memref<8x128xf32, #tpu.memory_space<hbm>>)
    %dma_wait3A_65 = arith.constant 0 : i32
    %dma_wait3A_66 = arith.constant 1 : i32
    %dma_wait3A_67 = arith.constant 8 : i32
    %dma_wait3A_68 = arith.constant 0 : i32
    %dma_wait3A_69 = tpu.memref_slice %arg8[%dma_wait3A_65, %dma_wait3A_67, %dma_wait3A_68] : memref<2x64x129xf32, #tpu.memory_space<vmem>> -> memref<1x8x128xf32, #tpu.memory_space<vmem>>
    %dma_wait3A_70 = tpu.memref_squeeze %dma_wait3A_69 : memref<1x8x128xf32, #tpu.memory_space<vmem>> -> memref<8x128xf32, #tpu.memory_space<vmem>>
    %dma_wait3A_71 = arith.constant 0 : i32
    %dma_wait3A_72 = arith.constant 0 : i32
    %dma_wait3A_73 = tpu.memref_slice %arg5[%select_n3A, %dma_wait3A_66, %rem3A_47, %dma_wait3A_71, %dma_wait3A_72] : memref<200x8x32x8x128xf32, #tpu.memory_space<hbm>> -> memref<1x1x1x8x128xf32, #tpu.memory_space<hbm>>
    %dma_wait3A_74 = tpu.memref_squeeze %dma_wait3A_73 : memref<1x1x1x8x128xf32, #tpu.memory_space<hbm>> -> memref<8x128xf32, #tpu.memory_space<hbm>>
    %dma_wait3A_75 = arith.constant 0 : i32
    %dma_wait3A_76 = arith.constant 0 : i32
    %dma_wait3A_77 = tpu.memref_slice %arg5[%select_n3A, %dma_wait3A_66, %rem3A_47, %dma_wait3A_75, %dma_wait3A_76] : memref<200x8x32x8x128xf32, #tpu.memory_space<hbm>> -> memref<1x1x1x8x128xf32, #tpu.memory_space<hbm>>
    %dma_wait3A_78 = tpu.memref_squeeze %dma_wait3A_77 : memref<1x1x1x8x128xf32, #tpu.memory_space<hbm>> -> memref<8x128xf32, #tpu.memory_space<hbm>>
    %dma_wait3A_79 = arith.constant 8 : i32
    %dma_wait3A_80 = arith.constant 0 : i32
    %dma_wait3A_81 = tpu.memref_slice %arg8[%dma_wait3A_65, %dma_wait3A_79, %dma_wait3A_80] : memref<2x64x129xf32, #tpu.memory_space<vmem>> -> memref<1x8x128xf32, #tpu.memory_space<vmem>>
    %dma_wait3A_82 = tpu.memref_squeeze %dma_wait3A_81 : memref<1x8x128xf32, #tpu.memory_space<vmem>> -> memref<8x128xf32, #tpu.memory_space<vmem>>
    tpu.wait_dma2 semaphore(%arg12 : memref<!tpu.dma_semaphore, #tpu.memory_space<semaphore_mem>>) src(%dma_wait3A_82 : memref<8x128xf32, #tpu.memory_space<vmem>>) dst(%dma_wait3A_78 : memref<8x128xf32, #tpu.memory_space<hbm>>)
    %dma_wait3A_83 = arith.constant 0 : i32
    %dma_wait3A_84 = arith.constant 2 : i32
    %dma_wait3A_85 = arith.constant 16 : i32
    %dma_wait3A_86 = arith.constant 0 : i32
    %dma_wait3A_87 = tpu.memref_slice %arg8[%dma_wait3A_83, %dma_wait3A_85, %dma_wait3A_86] : memref<2x64x129xf32, #tpu.memory_space<vmem>> -> memref<1x8x128xf32, #tpu.memory_space<vmem>>
    %dma_wait3A_88 = tpu.memref_squeeze %dma_wait3A_87 : memref<1x8x128xf32, #tpu.memory_space<vmem>> -> memref<8x128xf32, #tpu.memory_space<vmem>>
    %dma_wait3A_89 = arith.constant 0 : i32
    %dma_wait3A_90 = arith.constant 0 : i32
    %dma_wait3A_91 = tpu.memref_slice %arg5[%select_n3A, %dma_wait3A_84, %rem3A_47, %dma_wait3A_89, %dma_wait3A_90] : memref<200x8x32x8x128xf32, #tpu.memory_space<hbm>> -> memref<1x1x1x8x128xf32, #tpu.memory_space<hbm>>
    %dma_wait3A_92 = tpu.memref_squeeze %dma_wait3A_91 : memref<1x1x1x8x128xf32, #tpu.memory_space<hbm>> -> memref<8x128xf32, #tpu.memory_space<hbm>>
    %dma_wait3A_93 = arith.constant 0 : i32
    %dma_wait3A_94 = arith.constant 0 : i32
    %dma_wait3A_95 = tpu.memref_slice %arg5[%select_n3A, %dma_wait3A_84, %rem3A_47, %dma_wait3A_93, %dma_wait3A_94] : memref<200x8x32x8x128xf32, #tpu.memory_space<hbm>> -> memref<1x1x1x8x128xf32, #tpu.memory_space<hbm>>
    %dma_wait3A_96 = tpu.memref_squeeze %dma_wait3A_95 : memref<1x1x1x8x128xf32, #tpu.memory_space<hbm>> -> memref<8x128xf32, #tpu.memory_space<hbm>>
    %dma_wait3A_97 = arith.constant 16 : i32
    %dma_wait3A_98 = arith.constant 0 : i32
    %dma_wait3A_99 = tpu.memref_slice %arg8[%dma_wait3A_83, %dma_wait3A_97, %dma_wait3A_98] : memref<2x64x129xf32, #tpu.memory_space<vmem>> -> memref<1x8x128xf32, #tpu.memory_space<vmem>>
    %dma_wait3A_100 = tpu.memref_squeeze %dma_wait3A_99 : memref<1x8x128xf32, #tpu.memory_space<vmem>> -> memref<8x128xf32, #tpu.memory_space<vmem>>
    tpu.wait_dma2 semaphore(%arg12 : memref<!tpu.dma_semaphore, #tpu.memory_space<semaphore_mem>>) src(%dma_wait3A_100 : memref<8x128xf32, #tpu.memory_space<vmem>>) dst(%dma_wait3A_96 : memref<8x128xf32, #tpu.memory_space<hbm>>)
    %dma_wait3A_101 = arith.constant 0 : i32
    %dma_wait3A_102 = arith.constant 3 : i32
    %dma_wait3A_103 = arith.constant 24 : i32
    %dma_wait3A_104 = arith.constant 0 : i32
    %dma_wait3A_105 = tpu.memref_slice %arg8[%dma_wait3A_101, %dma_wait3A_103, %dma_wait3A_104] : memref<2x64x129xf32, #tpu.memory_space<vmem>> -> memref<1x8x128xf32, #tpu.memory_space<vmem>>
    %dma_wait3A_106 = tpu.memref_squeeze %dma_wait3A_105 : memref<1x8x128xf32, #tpu.memory_space<vmem>> -> memref<8x128xf32, #tpu.memory_space<vmem>>
    %dma_wait3A_107 = arith.constant 0 : i32
    %dma_wait3A_108 = arith.constant 0 : i32
    %dma_wait3A_109 = tpu.memref_slice %arg5[%select_n3A, %dma_wait3A_102, %rem3A_47, %dma_wait3A_107, %dma_wait3A_108] : memref<200x8x32x8x128xf32, #tpu.memory_space<hbm>> -> memref<1x1x1x8x128xf32, #tpu.memory_space<hbm>>
    %dma_wait3A_110 = tpu.memref_squeeze %dma_wait3A_109 : memref<1x1x1x8x128xf32, #tpu.memory_space<hbm>> -> memref<8x128xf32, #tpu.memory_space<hbm>>
    %dma_wait3A_111 = arith.constant 0 : i32
    %dma_wait3A_112 = arith.constant 0 : i32
    %dma_wait3A_113 = tpu.memref_slice %arg5[%select_n3A, %dma_wait3A_102, %rem3A_47, %dma_wait3A_111, %dma_wait3A_112] : memref<200x8x32x8x128xf32, #tpu.memory_space<hbm>> -> memref<1x1x1x8x128xf32, #tpu.memory_space<hbm>>
    %dma_wait3A_114 = tpu.memref_squeeze %dma_wait3A_113 : memref<1x1x1x8x128xf32, #tpu.memory_space<hbm>> -> memref<8x128xf32, #tpu.memory_space<hbm>>
    %dma_wait3A_115 = arith.constant 24 : i32
    %dma_wait3A_116 = arith.constant 0 : i32
    %dma_wait3A_117 = tpu.memref_slice %arg8[%dma_wait3A_101, %dma_wait3A_115, %dma_wait3A_116] : memref<2x64x129xf32, #tpu.memory_space<vmem>> -> memref<1x8x128xf32, #tpu.memory_space<vmem>>
    %dma_wait3A_118 = tpu.memref_squeeze %dma_wait3A_117 : memref<1x8x128xf32, #tpu.memory_space<vmem>> -> memref<8x128xf32, #tpu.memory_space<vmem>>
    tpu.wait_dma2 semaphore(%arg12 : memref<!tpu.dma_semaphore, #tpu.memory_space<semaphore_mem>>) src(%dma_wait3A_118 : memref<8x128xf32, #tpu.memory_space<vmem>>) dst(%dma_wait3A_114 : memref<8x128xf32, #tpu.memory_space<hbm>>)
    %dma_wait3A_119 = arith.constant 0 : i32
    %dma_wait3A_120 = arith.constant 4 : i32
    %dma_wait3A_121 = arith.constant 32 : i32
    %dma_wait3A_122 = arith.constant 0 : i32
    %dma_wait3A_123 = tpu.memref_slice %arg8[%dma_wait3A_119, %dma_wait3A_121, %dma_wait3A_122] : memref<2x64x129xf32, #tpu.memory_space<vmem>> -> memref<1x8x128xf32, #tpu.memory_space<vmem>>
    %dma_wait3A_124 = tpu.memref_squeeze %dma_wait3A_123 : memref<1x8x128xf32, #tpu.memory_space<vmem>> -> memref<8x128xf32, #tpu.memory_space<vmem>>
    %dma_wait3A_125 = arith.constant 0 : i32
    %dma_wait3A_126 = arith.constant 0 : i32
    %dma_wait3A_127 = tpu.memref_slice %arg5[%select_n3A, %dma_wait3A_120, %rem3A_47, %dma_wait3A_125, %dma_wait3A_126] : memref<200x8x32x8x128xf32, #tpu.memory_space<hbm>> -> memref<1x1x1x8x128xf32, #tpu.memory_space<hbm>>
    %dma_wait3A_128 = tpu.memref_squeeze %dma_wait3A_127 : memref<1x1x1x8x128xf32, #tpu.memory_space<hbm>> -> memref<8x128xf32, #tpu.memory_space<hbm>>
    %dma_wait3A_129 = arith.constant 0 : i32
    %dma_wait3A_130 = arith.constant 0 : i32
    %dma_wait3A_131 = tpu.memref_slice %arg5[%select_n3A, %dma_wait3A_120, %rem3A_47, %dma_wait3A_129, %dma_wait3A_130] : memref<200x8x32x8x128xf32, #tpu.memory_space<hbm>> -> memref<1x1x1x8x128xf32, #tpu.memory_space<hbm>>
    %dma_wait3A_132 = tpu.memref_squeeze %dma_wait3A_131 : memref<1x1x1x8x128xf32, #tpu.memory_space<hbm>> -> memref<8x128xf32, #tpu.memory_space<hbm>>
    %dma_wait3A_133 = arith.constant 32 : i32
    %dma_wait3A_134 = arith.constant 0 : i32
    %dma_wait3A_135 = tpu.memref_slice %arg8[%dma_wait3A_119, %dma_wait3A_133, %dma_wait3A_134] : memref<2x64x129xf32, #tpu.memory_space<vmem>> -> memref<1x8x128xf32, #tpu.memory_space<vmem>>
    %dma_wait3A_136 = tpu.memref_squeeze %dma_wait3A_135 : memref<1x8x128xf32, #tpu.memory_space<vmem>> -> memref<8x128xf32, #tpu.memory_space<vmem>>
    tpu.wait_dma2 semaphore(%arg12 : memref<!tpu.dma_semaphore, #tpu.memory_space<semaphore_mem>>) src(%dma_wait3A_136 : memref<8x128xf32, #tpu.memory_space<vmem>>) dst(%dma_wait3A_132 : memref<8x128xf32, #tpu.memory_space<hbm>>)
    %dma_wait3A_137 = arith.constant 0 : i32
    %dma_wait3A_138 = arith.constant 5 : i32
    %dma_wait3A_139 = arith.constant 40 : i32
    %dma_wait3A_140 = arith.constant 0 : i32
    %dma_wait3A_141 = tpu.memref_slice %arg8[%dma_wait3A_137, %dma_wait3A_139, %dma_wait3A_140] : memref<2x64x129xf32, #tpu.memory_space<vmem>> -> memref<1x8x128xf32, #tpu.memory_space<vmem>>
    %dma_wait3A_142 = tpu.memref_squeeze %dma_wait3A_141 : memref<1x8x128xf32, #tpu.memory_space<vmem>> -> memref<8x128xf32, #tpu.memory_space<vmem>>
    %dma_wait3A_143 = arith.constant 0 : i32
    %dma_wait3A_144 = arith.constant 0 : i32
    %dma_wait3A_145 = tpu.memref_slice %arg5[%select_n3A, %dma_wait3A_138, %rem3A_47, %dma_wait3A_143, %dma_wait3A_144] : memref<200x8x32x8x128xf32, #tpu.memory_space<hbm>> -> memref<1x1x1x8x128xf32, #tpu.memory_space<hbm>>
    %dma_wait3A_146 = tpu.memref_squeeze %dma_wait3A_145 : memref<1x1x1x8x128xf32, #tpu.memory_space<hbm>> -> memref<8x128xf32, #tpu.memory_space<hbm>>
    %dma_wait3A_147 = arith.constant 0 : i32
    %dma_wait3A_148 = arith.constant 0 : i32
    %dma_wait3A_149 = tpu.memref_slice %arg5[%select_n3A, %dma_wait3A_138, %rem3A_47, %dma_wait3A_147, %dma_wait3A_148] : memref<200x8x32x8x128xf32, #tpu.memory_space<hbm>> -> memref<1x1x1x8x128xf32, #tpu.memory_space<hbm>>
    %dma_wait3A_150 = tpu.memref_squeeze %dma_wait3A_149 : memref<1x1x1x8x128xf32, #tpu.memory_space<hbm>> -> memref<8x128xf32, #tpu.memory_space<hbm>>
    %dma_wait3A_151 = arith.constant 40 : i32
    %dma_wait3A_152 = arith.constant 0 : i32
    %dma_wait3A_153 = tpu.memref_slice %arg8[%dma_wait3A_137, %dma_wait3A_151, %dma_wait3A_152] : memref<2x64x129xf32, #tpu.memory_space<vmem>> -> memref<1x8x128xf32, #tpu.memory_space<vmem>>
    %dma_wait3A_154 = tpu.memref_squeeze %dma_wait3A_153 : memref<1x8x128xf32, #tpu.memory_space<vmem>> -> memref<8x128xf32, #tpu.memory_space<vmem>>
    tpu.wait_dma2 semaphore(%arg12 : memref<!tpu.dma_semaphore, #tpu.memory_space<semaphore_mem>>) src(%dma_wait3A_154 : memref<8x128xf32, #tpu.memory_space<vmem>>) dst(%dma_wait3A_150 : memref<8x128xf32, #tpu.memory_space<hbm>>)
    %dma_wait3A_155 = arith.constant 0 : i32
    %dma_wait3A_156 = arith.constant 6 : i32
    %dma_wait3A_157 = arith.constant 48 : i32
    %dma_wait3A_158 = arith.constant 0 : i32
    %dma_wait3A_159 = tpu.memref_slice %arg8[%dma_wait3A_155, %dma_wait3A_157, %dma_wait3A_158] : memref<2x64x129xf32, #tpu.memory_space<vmem>> -> memref<1x8x128xf32, #tpu.memory_space<vmem>>
    %dma_wait3A_160 = tpu.memref_squeeze %dma_wait3A_159 : memref<1x8x128xf32, #tpu.memory_space<vmem>> -> memref<8x128xf32, #tpu.memory_space<vmem>>
    %dma_wait3A_161 = arith.constant 0 : i32
    %dma_wait3A_162 = arith.constant 0 : i32
    %dma_wait3A_163 = tpu.memref_slice %arg5[%select_n3A, %dma_wait3A_156, %rem3A_47, %dma_wait3A_161, %dma_wait3A_162] : memref<200x8x32x8x128xf32, #tpu.memory_space<hbm>> -> memref<1x1x1x8x128xf32, #tpu.memory_space<hbm>>
    %dma_wait3A_164 = tpu.memref_squeeze %dma_wait3A_163 : memref<1x1x1x8x128xf32, #tpu.memory_space<hbm>> -> memref<8x128xf32, #tpu.memory_space<hbm>>
    %dma_wait3A_165 = arith.constant 0 : i32
    %dma_wait3A_166 = arith.constant 0 : i32
    %dma_wait3A_167 = tpu.memref_slice %arg5[%select_n3A, %dma_wait3A_156, %rem3A_47, %dma_wait3A_165, %dma_wait3A_166] : memref<200x8x32x8x128xf32, #tpu.memory_space<hbm>> -> memref<1x1x1x8x128xf32, #tpu.memory_space<hbm>>
    %dma_wait3A_168 = tpu.memref_squeeze %dma_wait3A_167 : memref<1x1x1x8x128xf32, #tpu.memory_space<hbm>> -> memref<8x128xf32, #tpu.memory_space<hbm>>
    %dma_wait3A_169 = arith.constant 48 : i32
    %dma_wait3A_170 = arith.constant 0 : i32
    %dma_wait3A_171 = tpu.memref_slice %arg8[%dma_wait3A_155, %dma_wait3A_169, %dma_wait3A_170] : memref<2x64x129xf32, #tpu.memory_space<vmem>> -> memref<1x8x128xf32, #tpu.memory_space<vmem>>
    %dma_wait3A_172 = tpu.memref_squeeze %dma_wait3A_171 : memref<1x8x128xf32, #tpu.memory_space<vmem>> -> memref<8x128xf32, #tpu.memory_space<vmem>>
    tpu.wait_dma2 semaphore(%arg12 : memref<!tpu.dma_semaphore, #tpu.memory_space<semaphore_mem>>) src(%dma_wait3A_172 : memref<8x128xf32, #tpu.memory_space<vmem>>) dst(%dma_wait3A_168 : memref<8x128xf32, #tpu.memory_space<hbm>>)
    %dma_wait3A_173 = arith.constant 0 : i32
    %dma_wait3A_174 = arith.constant 7 : i32
    %dma_wait3A_175 = arith.constant 56 : i32
    %dma_wait3A_176 = arith.constant 0 : i32
    %dma_wait3A_177 = tpu.memref_slice %arg8[%dma_wait3A_173, %dma_wait3A_175, %dma_wait3A_176] : memref<2x64x129xf32, #tpu.memory_space<vmem>> -> memref<1x8x128xf32, #tpu.memory_space<vmem>>
    %dma_wait3A_178 = tpu.memref_squeeze %dma_wait3A_177 : memref<1x8x128xf32, #tpu.memory_space<vmem>> -> memref<8x128xf32, #tpu.memory_space<vmem>>
    %dma_wait3A_179 = arith.constant 0 : i32
    %dma_wait3A_180 = arith.constant 0 : i32
    %dma_wait3A_181 = tpu.memref_slice %arg5[%select_n3A, %dma_wait3A_174, %rem3A_47, %dma_wait3A_179, %dma_wait3A_180] : memref<200x8x32x8x128xf32, #tpu.memory_space<hbm>> -> memref<1x1x1x8x128xf32, #tpu.memory_space<hbm>>
    %dma_wait3A_182 = tpu.memref_squeeze %dma_wait3A_181 : memref<1x1x1x8x128xf32, #tpu.memory_space<hbm>> -> memref<8x128xf32, #tpu.memory_space<hbm>>
    %dma_wait3A_183 = arith.constant 0 : i32
    %dma_wait3A_184 = arith.constant 0 : i32
    %dma_wait3A_185 = tpu.memref_slice %arg5[%select_n3A, %dma_wait3A_174, %rem3A_47, %dma_wait3A_183, %dma_wait3A_184] : memref<200x8x32x8x128xf32, #tpu.memory_space<hbm>> -> memref<1x1x1x8x128xf32, #tpu.memory_space<hbm>>
    %dma_wait3A_186 = tpu.memref_squeeze %dma_wait3A_185 : memref<1x1x1x8x128xf32, #tpu.memory_space<hbm>> -> memref<8x128xf32, #tpu.memory_space<hbm>>
    %dma_wait3A_187 = arith.constant 56 : i32
    %dma_wait3A_188 = arith.constant 0 : i32
    %dma_wait3A_189 = tpu.memref_slice %arg8[%dma_wait3A_173, %dma_wait3A_187, %dma_wait3A_188] : memref<2x64x129xf32, #tpu.memory_space<vmem>> -> memref<1x8x128xf32, #tpu.memory_space<vmem>>
    %dma_wait3A_190 = tpu.memref_squeeze %dma_wait3A_189 : memref<1x8x128xf32, #tpu.memory_space<vmem>> -> memref<8x128xf32, #tpu.memory_space<vmem>>
    tpu.wait_dma2 semaphore(%arg12 : memref<!tpu.dma_semaphore, #tpu.memory_space<semaphore_mem>>) src(%dma_wait3A_190 : memref<8x128xf32, #tpu.memory_space<vmem>>) dst(%dma_wait3A_186 : memref<8x128xf32, #tpu.memory_space<hbm>>)
    %add3A_191 = arith.constant 199 : i32
    %add3A_192 = arith.addi %mul3A_4, %add3A_191 : i32
    %jit3A_193 = arith.constant 32 : i32
    %div3A_194 = arith.divsi %add3A_192, %jit3A_193 : i32
    %sign3A_195 = arith.constant 0 : i32
    %sign3A_196 = arith.cmpi sgt, %add3A_192, %sign3A_195 : i32
    %sign3A_197 = arith.extui %sign3A_196 : i1 to i32
    %sign3A_198 = arith.constant 0 : i32
    %sign3A_199 = arith.cmpi slt, %add3A_192, %sign3A_198 : i32
    %sign3A_200 = arith.extui %sign3A_199 : i1 to i32
    %sign3A_201 = arith.subi %sign3A_197, %sign3A_200 : i32
    %sign3A_202 = arith.constant 0 : i32
    %sign3A_203 = arith.cmpi sgt, %jit3A_193, %sign3A_202 : i32
    %sign3A_204 = arith.extui %sign3A_203 : i1 to i32
    %sign3A_205 = arith.constant 0 : i32
    %sign3A_206 = arith.cmpi slt, %jit3A_193, %sign3A_205 : i32
    %sign3A_207 = arith.extui %sign3A_206 : i1 to i32
    %sign3A_208 = arith.subi %sign3A_204, %sign3A_207 : i32
    %ne3A_209 = arith.cmpi ne, %sign3A_201, %sign3A_208 : i32
    %rem3A_210 = arith.remsi %add3A_192, %jit3A_193 : i32
    %ne3A_211 = arith.constant 0 : i32
    %ne3A_212 = arith.cmpi ne, %rem3A_210, %ne3A_211 : i32
    %and3A_213 = arith.andi %ne3A_209, %ne3A_212 : i1
    %sub3A_214 = arith.constant 1 : i32
    %sub3A_215 = arith.subi %div3A_194, %sub3A_214 : i32
    %select_n3A_216 = arith.select %and3A_213, %sub3A_215, %div3A_194 : i32
    %rem3A_217 = arith.constant 32 : i32
    %rem3A_218 = arith.remsi %add3A_192, %rem3A_217 : i32
    %dma_wait3A_219 = arith.constant 1 : i32
    %dma_wait3A_220 = arith.constant 0 : i32
    %dma_wait3A_221 = arith.constant 0 : i32
    %dma_wait3A_222 = arith.constant 0 : i32
    %dma_wait3A_223 = tpu.memref_slice %arg8[%dma_wait3A_219, %dma_wait3A_221, %dma_wait3A_222] : memref<2x64x129xf32, #tpu.memory_space<vmem>> -> memref<1x8x128xf32, #tpu.memory_space<vmem>>
    %dma_wait3A_224 = tpu.memref_squeeze %dma_wait3A_223 : memref<1x8x128xf32, #tpu.memory_space<vmem>> -> memref<8x128xf32, #tpu.memory_space<vmem>>
    %dma_wait3A_225 = arith.constant 0 : i32
    %dma_wait3A_226 = arith.constant 0 : i32
    %dma_wait3A_227 = tpu.memref_slice %arg5[%select_n3A_216, %dma_wait3A_220, %rem3A_218, %dma_wait3A_225, %dma_wait3A_226] : memref<200x8x32x8x128xf32, #tpu.memory_space<hbm>> -> memref<1x1x1x8x128xf32, #tpu.memory_space<hbm>>
    %dma_wait3A_228 = tpu.memref_squeeze %dma_wait3A_227 : memref<1x1x1x8x128xf32, #tpu.memory_space<hbm>> -> memref<8x128xf32, #tpu.memory_space<hbm>>
    %dma_wait3A_229 = arith.constant 0 : i32
    %dma_wait3A_230 = arith.constant 0 : i32
    %dma_wait3A_231 = tpu.memref_slice %arg5[%select_n3A_216, %dma_wait3A_220, %rem3A_218, %dma_wait3A_229, %dma_wait3A_230] : memref<200x8x32x8x128xf32, #tpu.memory_space<hbm>> -> memref<1x1x1x8x128xf32, #tpu.memory_space<hbm>>
    %dma_wait3A_232 = tpu.memref_squeeze %dma_wait3A_231 : memref<1x1x1x8x128xf32, #tpu.memory_space<hbm>> -> memref<8x128xf32, #tpu.memory_space<hbm>>
    %dma_wait3A_233 = arith.constant 0 : i32
    %dma_wait3A_234 = arith.constant 0 : i32
    %dma_wait3A_235 = tpu.memref_slice %arg8[%dma_wait3A_219, %dma_wait3A_233, %dma_wait3A_234] : memref<2x64x129xf32, #tpu.memory_space<vmem>> -> memref<1x8x128xf32, #tpu.memory_space<vmem>>
    %dma_wait3A_236 = tpu.memref_squeeze %dma_wait3A_235 : memref<1x8x128xf32, #tpu.memory_space<vmem>> -> memref<8x128xf32, #tpu.memory_space<vmem>>
    tpu.wait_dma2 semaphore(%arg13 : memref<!tpu.dma_semaphore, #tpu.memory_space<semaphore_mem>>) src(%dma_wait3A_236 : memref<8x128xf32, #tpu.memory_space<vmem>>) dst(%dma_wait3A_232 : memref<8x128xf32, #tpu.memory_space<hbm>>)
    %dma_wait3A_237 = arith.constant 1 : i32
    %dma_wait3A_238 = arith.constant 1 : i32
    %dma_wait3A_239 = arith.constant 8 : i32
    %dma_wait3A_240 = arith.constant 0 : i32
    %dma_wait3A_241 = tpu.memref_slice %arg8[%dma_wait3A_237, %dma_wait3A_239, %dma_wait3A_240] : memref<2x64x129xf32, #tpu.memory_space<vmem>> -> memref<1x8x128xf32, #tpu.memory_space<vmem>>
    %dma_wait3A_242 = tpu.memref_squeeze %dma_wait3A_241 : memref<1x8x128xf32, #tpu.memory_space<vmem>> -> memref<8x128xf32, #tpu.memory_space<vmem>>
    %dma_wait3A_243 = arith.constant 0 : i32
    %dma_wait3A_244 = arith.constant 0 : i32
    %dma_wait3A_245 = tpu.memref_slice %arg5[%select_n3A_216, %dma_wait3A_238, %rem3A_218, %dma_wait3A_243, %dma_wait3A_244] : memref<200x8x32x8x128xf32, #tpu.memory_space<hbm>> -> memref<1x1x1x8x128xf32, #tpu.memory_space<hbm>>
    %dma_wait3A_246 = tpu.memref_squeeze %dma_wait3A_245 : memref<1x1x1x8x128xf32, #tpu.memory_space<hbm>> -> memref<8x128xf32, #tpu.memory_space<hbm>>
    %dma_wait3A_247 = arith.constant 0 : i32
    %dma_wait3A_248 = arith.constant 0 : i32
    %dma_wait3A_249 = tpu.memref_slice %arg5[%select_n3A_216, %dma_wait3A_238, %rem3A_218, %dma_wait3A_247, %dma_wait3A_248] : memref<200x8x32x8x128xf32, #tpu.memory_space<hbm>> -> memref<1x1x1x8x128xf32, #tpu.memory_space<hbm>>
    %dma_wait3A_250 = tpu.memref_squeeze %dma_wait3A_249 : memref<1x1x1x8x128xf32, #tpu.memory_space<hbm>> -> memref<8x128xf32, #tpu.memory_space<hbm>>
    %dma_wait3A_251 = arith.constant 8 : i32
    %dma_wait3A_252 = arith.constant 0 : i32
    %dma_wait3A_253 = tpu.memref_slice %arg8[%dma_wait3A_237, %dma_wait3A_251, %dma_wait3A_252] : memref<2x64x129xf32, #tpu.memory_space<vmem>> -> memref<1x8x128xf32, #tpu.memory_space<vmem>>
    %dma_wait3A_254 = tpu.memref_squeeze %dma_wait3A_253 : memref<1x8x128xf32, #tpu.memory_space<vmem>> -> memref<8x128xf32, #tpu.memory_space<vmem>>
    tpu.wait_dma2 semaphore(%arg13 : memref<!tpu.dma_semaphore, #tpu.memory_space<semaphore_mem>>) src(%dma_wait3A_254 : memref<8x128xf32, #tpu.memory_space<vmem>>) dst(%dma_wait3A_250 : memref<8x128xf32, #tpu.memory_space<hbm>>)
    %dma_wait3A_255 = arith.constant 1 : i32
    %dma_wait3A_256 = arith.constant 2 : i32
    %dma_wait3A_257 = arith.constant 16 : i32
    %dma_wait3A_258 = arith.constant 0 : i32
    %dma_wait3A_259 = tpu.memref_slice %arg8[%dma_wait3A_255, %dma_wait3A_257, %dma_wait3A_258] : memref<2x64x129xf32, #tpu.memory_space<vmem>> -> memref<1x8x128xf32, #tpu.memory_space<vmem>>
    %dma_wait3A_260 = tpu.memref_squeeze %dma_wait3A_259 : memref<1x8x128xf32, #tpu.memory_space<vmem>> -> memref<8x128xf32, #tpu.memory_space<vmem>>
    %dma_wait3A_261 = arith.constant 0 : i32
    %dma_wait3A_262 = arith.constant 0 : i32
    %dma_wait3A_263 = tpu.memref_slice %arg5[%select_n3A_216, %dma_wait3A_256, %rem3A_218, %dma_wait3A_261, %dma_wait3A_262] : memref<200x8x32x8x128xf32, #tpu.memory_space<hbm>> -> memref<1x1x1x8x128xf32, #tpu.memory_space<hbm>>
    %dma_wait3A_264 = tpu.memref_squeeze %dma_wait3A_263 : memref<1x1x1x8x128xf32, #tpu.memory_space<hbm>> -> memref<8x128xf32, #tpu.memory_space<hbm>>
    %dma_wait3A_265 = arith.constant 0 : i32
    %dma_wait3A_266 = arith.constant 0 : i32
    %dma_wait3A_267 = tpu.memref_slice %arg5[%select_n3A_216, %dma_wait3A_256, %rem3A_218, %dma_wait3A_265, %dma_wait3A_266] : memref<200x8x32x8x128xf32, #tpu.memory_space<hbm>> -> memref<1x1x1x8x128xf32, #tpu.memory_space<hbm>>
    %dma_wait3A_268 = tpu.memref_squeeze %dma_wait3A_267 : memref<1x1x1x8x128xf32, #tpu.memory_space<hbm>> -> memref<8x128xf32, #tpu.memory_space<hbm>>
    %dma_wait3A_269 = arith.constant 16 : i32
    %dma_wait3A_270 = arith.constant 0 : i32
    %dma_wait3A_271 = tpu.memref_slice %arg8[%dma_wait3A_255, %dma_wait3A_269, %dma_wait3A_270] : memref<2x64x129xf32, #tpu.memory_space<vmem>> -> memref<1x8x128xf32, #tpu.memory_space<vmem>>
    %dma_wait3A_272 = tpu.memref_squeeze %dma_wait3A_271 : memref<1x8x128xf32, #tpu.memory_space<vmem>> -> memref<8x128xf32, #tpu.memory_space<vmem>>
    tpu.wait_dma2 semaphore(%arg13 : memref<!tpu.dma_semaphore, #tpu.memory_space<semaphore_mem>>) src(%dma_wait3A_272 : memref<8x128xf32, #tpu.memory_space<vmem>>) dst(%dma_wait3A_268 : memref<8x128xf32, #tpu.memory_space<hbm>>)
    %dma_wait3A_273 = arith.constant 1 : i32
    %dma_wait3A_274 = arith.constant 3 : i32
    %dma_wait3A_275 = arith.constant 24 : i32
    %dma_wait3A_276 = arith.constant 0 : i32
    %dma_wait3A_277 = tpu.memref_slice %arg8[%dma_wait3A_273, %dma_wait3A_275, %dma_wait3A_276] : memref<2x64x129xf32, #tpu.memory_space<vmem>> -> memref<1x8x128xf32, #tpu.memory_space<vmem>>
    %dma_wait3A_278 = tpu.memref_squeeze %dma_wait3A_277 : memref<1x8x128xf32, #tpu.memory_space<vmem>> -> memref<8x128xf32, #tpu.memory_space<vmem>>
    %dma_wait3A_279 = arith.constant 0 : i32
    %dma_wait3A_280 = arith.constant 0 : i32
    %dma_wait3A_281 = tpu.memref_slice %arg5[%select_n3A_216, %dma_wait3A_274, %rem3A_218, %dma_wait3A_279, %dma_wait3A_280] : memref<200x8x32x8x128xf32, #tpu.memory_space<hbm>> -> memref<1x1x1x8x128xf32, #tpu.memory_space<hbm>>
    %dma_wait3A_282 = tpu.memref_squeeze %dma_wait3A_281 : memref<1x1x1x8x128xf32, #tpu.memory_space<hbm>> -> memref<8x128xf32, #tpu.memory_space<hbm>>
    %dma_wait3A_283 = arith.constant 0 : i32
    %dma_wait3A_284 = arith.constant 0 : i32
    %dma_wait3A_285 = tpu.memref_slice %arg5[%select_n3A_216, %dma_wait3A_274, %rem3A_218, %dma_wait3A_283, %dma_wait3A_284] : memref<200x8x32x8x128xf32, #tpu.memory_space<hbm>> -> memref<1x1x1x8x128xf32, #tpu.memory_space<hbm>>
    %dma_wait3A_286 = tpu.memref_squeeze %dma_wait3A_285 : memref<1x1x1x8x128xf32, #tpu.memory_space<hbm>> -> memref<8x128xf32, #tpu.memory_space<hbm>>
    %dma_wait3A_287 = arith.constant 24 : i32
    %dma_wait3A_288 = arith.constant 0 : i32
    %dma_wait3A_289 = tpu.memref_slice %arg8[%dma_wait3A_273, %dma_wait3A_287, %dma_wait3A_288] : memref<2x64x129xf32, #tpu.memory_space<vmem>> -> memref<1x8x128xf32, #tpu.memory_space<vmem>>
    %dma_wait3A_290 = tpu.memref_squeeze %dma_wait3A_289 : memref<1x8x128xf32, #tpu.memory_space<vmem>> -> memref<8x128xf32, #tpu.memory_space<vmem>>
    tpu.wait_dma2 semaphore(%arg13 : memref<!tpu.dma_semaphore, #tpu.memory_space<semaphore_mem>>) src(%dma_wait3A_290 : memref<8x128xf32, #tpu.memory_space<vmem>>) dst(%dma_wait3A_286 : memref<8x128xf32, #tpu.memory_space<hbm>>)
    %dma_wait3A_291 = arith.constant 1 : i32
    %dma_wait3A_292 = arith.constant 4 : i32
    %dma_wait3A_293 = arith.constant 32 : i32
    %dma_wait3A_294 = arith.constant 0 : i32
    %dma_wait3A_295 = tpu.memref_slice %arg8[%dma_wait3A_291, %dma_wait3A_293, %dma_wait3A_294] : memref<2x64x129xf32, #tpu.memory_space<vmem>> -> memref<1x8x128xf32, #tpu.memory_space<vmem>>
    %dma_wait3A_296 = tpu.memref_squeeze %dma_wait3A_295 : memref<1x8x128xf32, #tpu.memory_space<vmem>> -> memref<8x128xf32, #tpu.memory_space<vmem>>
    %dma_wait3A_297 = arith.constant 0 : i32
    %dma_wait3A_298 = arith.constant 0 : i32
    %dma_wait3A_299 = tpu.memref_slice %arg5[%select_n3A_216, %dma_wait3A_292, %rem3A_218, %dma_wait3A_297, %dma_wait3A_298] : memref<200x8x32x8x128xf32, #tpu.memory_space<hbm>> -> memref<1x1x1x8x128xf32, #tpu.memory_space<hbm>>
    %dma_wait3A_300 = tpu.memref_squeeze %dma_wait3A_299 : memref<1x1x1x8x128xf32, #tpu.memory_space<hbm>> -> memref<8x128xf32, #tpu.memory_space<hbm>>
    %dma_wait3A_301 = arith.constant 0 : i32
    %dma_wait3A_302 = arith.constant 0 : i32
    %dma_wait3A_303 = tpu.memref_slice %arg5[%select_n3A_216, %dma_wait3A_292, %rem3A_218, %dma_wait3A_301, %dma_wait3A_302] : memref<200x8x32x8x128xf32, #tpu.memory_space<hbm>> -> memref<1x1x1x8x128xf32, #tpu.memory_space<hbm>>
    %dma_wait3A_304 = tpu.memref_squeeze %dma_wait3A_303 : memref<1x1x1x8x128xf32, #tpu.memory_space<hbm>> -> memref<8x128xf32, #tpu.memory_space<hbm>>
    %dma_wait3A_305 = arith.constant 32 : i32
    %dma_wait3A_306 = arith.constant 0 : i32
    %dma_wait3A_307 = tpu.memref_slice %arg8[%dma_wait3A_291, %dma_wait3A_305, %dma_wait3A_306] : memref<2x64x129xf32, #tpu.memory_space<vmem>> -> memref<1x8x128xf32, #tpu.memory_space<vmem>>
    %dma_wait3A_308 = tpu.memref_squeeze %dma_wait3A_307 : memref<1x8x128xf32, #tpu.memory_space<vmem>> -> memref<8x128xf32, #tpu.memory_space<vmem>>
    tpu.wait_dma2 semaphore(%arg13 : memref<!tpu.dma_semaphore, #tpu.memory_space<semaphore_mem>>) src(%dma_wait3A_308 : memref<8x128xf32, #tpu.memory_space<vmem>>) dst(%dma_wait3A_304 : memref<8x128xf32, #tpu.memory_space<hbm>>)
    %dma_wait3A_309 = arith.constant 1 : i32
    %dma_wait3A_310 = arith.constant 5 : i32
    %dma_wait3A_311 = arith.constant 40 : i32
    %dma_wait3A_312 = arith.constant 0 : i32
    %dma_wait3A_313 = tpu.memref_slice %arg8[%dma_wait3A_309, %dma_wait3A_311, %dma_wait3A_312] : memref<2x64x129xf32, #tpu.memory_space<vmem>> -> memref<1x8x128xf32, #tpu.memory_space<vmem>>
    %dma_wait3A_314 = tpu.memref_squeeze %dma_wait3A_313 : memref<1x8x128xf32, #tpu.memory_space<vmem>> -> memref<8x128xf32, #tpu.memory_space<vmem>>
    %dma_wait3A_315 = arith.constant 0 : i32
    %dma_wait3A_316 = arith.constant 0 : i32
    %dma_wait3A_317 = tpu.memref_slice %arg5[%select_n3A_216, %dma_wait3A_310, %rem3A_218, %dma_wait3A_315, %dma_wait3A_316] : memref<200x8x32x8x128xf32, #tpu.memory_space<hbm>> -> memref<1x1x1x8x128xf32, #tpu.memory_space<hbm>>
    %dma_wait3A_318 = tpu.memref_squeeze %dma_wait3A_317 : memref<1x1x1x8x128xf32, #tpu.memory_space<hbm>> -> memref<8x128xf32, #tpu.memory_space<hbm>>
    %dma_wait3A_319 = arith.constant 0 : i32
    %dma_wait3A_320 = arith.constant 0 : i32
    %dma_wait3A_321 = tpu.memref_slice %arg5[%select_n3A_216, %dma_wait3A_310, %rem3A_218, %dma_wait3A_319, %dma_wait3A_320] : memref<200x8x32x8x128xf32, #tpu.memory_space<hbm>> -> memref<1x1x1x8x128xf32, #tpu.memory_space<hbm>>
    %dma_wait3A_322 = tpu.memref_squeeze %dma_wait3A_321 : memref<1x1x1x8x128xf32, #tpu.memory_space<hbm>> -> memref<8x128xf32, #tpu.memory_space<hbm>>
    %dma_wait3A_323 = arith.constant 40 : i32
    %dma_wait3A_324 = arith.constant 0 : i32
    %dma_wait3A_325 = tpu.memref_slice %arg8[%dma_wait3A_309, %dma_wait3A_323, %dma_wait3A_324] : memref<2x64x129xf32, #tpu.memory_space<vmem>> -> memref<1x8x128xf32, #tpu.memory_space<vmem>>
    %dma_wait3A_326 = tpu.memref_squeeze %dma_wait3A_325 : memref<1x8x128xf32, #tpu.memory_space<vmem>> -> memref<8x128xf32, #tpu.memory_space<vmem>>
    tpu.wait_dma2 semaphore(%arg13 : memref<!tpu.dma_semaphore, #tpu.memory_space<semaphore_mem>>) src(%dma_wait3A_326 : memref<8x128xf32, #tpu.memory_space<vmem>>) dst(%dma_wait3A_322 : memref<8x128xf32, #tpu.memory_space<hbm>>)
    %dma_wait3A_327 = arith.constant 1 : i32
    %dma_wait3A_328 = arith.constant 6 : i32
    %dma_wait3A_329 = arith.constant 48 : i32
    %dma_wait3A_330 = arith.constant 0 : i32
    %dma_wait3A_331 = tpu.memref_slice %arg8[%dma_wait3A_327, %dma_wait3A_329, %dma_wait3A_330] : memref<2x64x129xf32, #tpu.memory_space<vmem>> -> memref<1x8x128xf32, #tpu.memory_space<vmem>>
    %dma_wait3A_332 = tpu.memref_squeeze %dma_wait3A_331 : memref<1x8x128xf32, #tpu.memory_space<vmem>> -> memref<8x128xf32, #tpu.memory_space<vmem>>
    %dma_wait3A_333 = arith.constant 0 : i32
    %dma_wait3A_334 = arith.constant 0 : i32
    %dma_wait3A_335 = tpu.memref_slice %arg5[%select_n3A_216, %dma_wait3A_328, %rem3A_218, %dma_wait3A_333, %dma_wait3A_334] : memref<200x8x32x8x128xf32, #tpu.memory_space<hbm>> -> memref<1x1x1x8x128xf32, #tpu.memory_space<hbm>>
    %dma_wait3A_336 = tpu.memref_squeeze %dma_wait3A_335 : memref<1x1x1x8x128xf32, #tpu.memory_space<hbm>> -> memref<8x128xf32, #tpu.memory_space<hbm>>
    %dma_wait3A_337 = arith.constant 0 : i32
    %dma_wait3A_338 = arith.constant 0 : i32
    %dma_wait3A_339 = tpu.memref_slice %arg5[%select_n3A_216, %dma_wait3A_328, %rem3A_218, %dma_wait3A_337, %dma_wait3A_338] : memref<200x8x32x8x128xf32, #tpu.memory_space<hbm>> -> memref<1x1x1x8x128xf32, #tpu.memory_space<hbm>>
    %dma_wait3A_340 = tpu.memref_squeeze %dma_wait3A_339 : memref<1x1x1x8x128xf32, #tpu.memory_space<hbm>> -> memref<8x128xf32, #tpu.memory_space<hbm>>
    %dma_wait3A_341 = arith.constant 48 : i32
    %dma_wait3A_342 = arith.constant 0 : i32
    %dma_wait3A_343 = tpu.memref_slice %arg8[%dma_wait3A_327, %dma_wait3A_341, %dma_wait3A_342] : memref<2x64x129xf32, #tpu.memory_space<vmem>> -> memref<1x8x128xf32, #tpu.memory_space<vmem>>
    %dma_wait3A_344 = tpu.memref_squeeze %dma_wait3A_343 : memref<1x8x128xf32, #tpu.memory_space<vmem>> -> memref<8x128xf32, #tpu.memory_space<vmem>>
    tpu.wait_dma2 semaphore(%arg13 : memref<!tpu.dma_semaphore, #tpu.memory_space<semaphore_mem>>) src(%dma_wait3A_344 : memref<8x128xf32, #tpu.memory_space<vmem>>) dst(%dma_wait3A_340 : memref<8x128xf32, #tpu.memory_space<hbm>>)
    %dma_wait3A_345 = arith.constant 1 : i32
    %dma_wait3A_346 = arith.constant 7 : i32
    %dma_wait3A_347 = arith.constant 56 : i32
    %dma_wait3A_348 = arith.constant 0 : i32
    %dma_wait3A_349 = tpu.memref_slice %arg8[%dma_wait3A_345, %dma_wait3A_347, %dma_wait3A_348] : memref<2x64x129xf32, #tpu.memory_space<vmem>> -> memref<1x8x128xf32, #tpu.memory_space<vmem>>
    %dma_wait3A_350 = tpu.memref_squeeze %dma_wait3A_349 : memref<1x8x128xf32, #tpu.memory_space<vmem>> -> memref<8x128xf32, #tpu.memory_space<vmem>>
    %dma_wait3A_351 = arith.constant 0 : i32
    %dma_wait3A_352 = arith.constant 0 : i32
    %dma_wait3A_353 = tpu.memref_slice %arg5[%select_n3A_216, %dma_wait3A_346, %rem3A_218, %dma_wait3A_351, %dma_wait3A_352] : memref<200x8x32x8x128xf32, #tpu.memory_space<hbm>> -> memref<1x1x1x8x128xf32, #tpu.memory_space<hbm>>
    %dma_wait3A_354 = tpu.memref_squeeze %dma_wait3A_353 : memref<1x1x1x8x128xf32, #tpu.memory_space<hbm>> -> memref<8x128xf32, #tpu.memory_space<hbm>>
    %dma_wait3A_355 = arith.constant 0 : i32
    %dma_wait3A_356 = arith.constant 0 : i32
    %dma_wait3A_357 = tpu.memref_slice %arg5[%select_n3A_216, %dma_wait3A_346, %rem3A_218, %dma_wait3A_355, %dma_wait3A_356] : memref<200x8x32x8x128xf32, #tpu.memory_space<hbm>> -> memref<1x1x1x8x128xf32, #tpu.memory_space<hbm>>
    %dma_wait3A_358 = tpu.memref_squeeze %dma_wait3A_357 : memref<1x1x1x8x128xf32, #tpu.memory_space<hbm>> -> memref<8x128xf32, #tpu.memory_space<hbm>>
    %dma_wait3A_359 = arith.constant 56 : i32
    %dma_wait3A_360 = arith.constant 0 : i32
    %dma_wait3A_361 = tpu.memref_slice %arg8[%dma_wait3A_345, %dma_wait3A_359, %dma_wait3A_360] : memref<2x64x129xf32, #tpu.memory_space<vmem>> -> memref<1x8x128xf32, #tpu.memory_space<vmem>>
    %dma_wait3A_362 = tpu.memref_squeeze %dma_wait3A_361 : memref<1x8x128xf32, #tpu.memory_space<vmem>> -> memref<8x128xf32, #tpu.memory_space<vmem>>
    tpu.wait_dma2 semaphore(%arg13 : memref<!tpu.dma_semaphore, #tpu.memory_space<semaphore_mem>>) src(%dma_wait3A_362 : memref<8x128xf32, #tpu.memory_space<vmem>>) dst(%dma_wait3A_358 : memref<8x128xf32, #tpu.memory_space<hbm>>)
    return
  }
}

</mosaic_0001>

<sc_bundles>
// kernel: kernel.3.cloned.1.call-start
scs
__scs_entry_jumppad:
0x0: {  	(pc) =	sbr.rel $0x88, $3  }
0x1: {  	(tag) =	ssettag $0x0;
	lr =	simm.s32 $0x1  }
0x2: {  	[smem:$0x3F9E] =	sst lr;
	_ =	strace $0xD0000000  }
0x3: {  	_ = 	snop  }
0x4: {  	_ = 	snop  }
0x5: {  	_ = 	snop  }
0x6: {  	_ = 	snop  }
0x7: {  	_ = 	snop  }
__scs_overlays_trampoline_lowered:
0x8: {  	[smem:$0x3FAD] =	sst s0  }
0x9: {  	[smem:$0x3FAE] =	sst s1  }
0xa: {  	[smem:$0x3FAF] =	sst s2  }
0xb: {  	[smem:$0x3FB0] =	sst s3  }
0xc: {  	[smem:$0x3FB1] =	sst s4  }
0xd: {  	[smem:$0x3FB2] =	sst s5  }
0xe: {  	[smem:$0x3FB3] =	sst s6  }
0xf: {  	[smem:$0x3FB4] =	sst s7  }
0x10: {  	[smem:$0x3FB5] =	sst s8  }
0x11: {  	[smem:$0x3FB6] =	sst s9;
	s0 =	simm.s32 @!p0 $0x0  }
0x12: {  	s1 =	sld [smem:$0x3F9C];
	s0 =	simm.s32 @p0 $0x1  }
0x13: {  	[smem:$0x3FB7] =	sst s0;
	s0 =	simm.s32 @!p1 $0x0  }
0x14: {  	s2 =	sld [smem:$0x3F9B];
	s0 =	simm.s32 @p1 $0x1  }
0x15: {  	[smem:$0x3FB8] =	sst s0;
	s0 =	simm.s32 @!p2 $0x0  }
0x16: {  	s3 =	sld [smem:$0x3FDB];
	s0 =	simm.s32 @p2 $0x1  }
0x17: {  	s4 =	simm.s32 $0x1BF5;
	[smem:$0x3FBA] =	sst s0  }
0x18: {  	s0 =	sld [smem:$0x3F9D];
	_ =	swait.ge [sflag:s4], $0x0  }
0x19: {  	s7 =	sld [smem:$0x3F9E]  }
0x1a: {  	s8 =	sadd.s32 $0xFFFFE003, lr  }
0x1b: {  	s9 =	sadd.s32 $0xFFFFFEF7, lr;
	s5 =	simm.s32 $0xFFFFFFFF;
	p2 =	slt.u32 s8, $0xFFFFF086  }
0x1c: {  	p1 =	slt.u32 s9, $0xF7A;
	s5 =	simm.s32 @!p2 $0x0  }
0x1d: {  	s5 =	simm.s32 @p1 $0x1;
	p0 =	seq.s32 s7, s2  }
0x1e: {  	s7 =	smul.u32 @!p0 $0xF7A, s2;
	p2 =	seq.s32 @!p0 s5, $0x0  }
0x1f: {  	s9 =	smul.u32 $0xF7A, s1;
	s8 =	simm.s32 @!p0 $0x1BF5;
	p2 =	por !p2, p0  }
0x20: {  	[sflag:s8] =	ssyncset.s32 @!p0 $0xFFFFF086;
	s6 =	sadd.s32 @!p0 s3, s7;
	s7 =	simm.s32 @!p0 $0x108  }
0x21: {  	s3 =	sadd.s32 s3, s9;
	s6 =	sadd.s32 @!p0 $0x88, s6;
	s7 =	simm.s32 @p2 $0x1082  }
0x22: {  	[simem:s7], [sflag:s8] =	dma.local @!p0 [hbm:s6], $0xF7A  }
0x23: {  	s9 =	sor.u32 $0xD0000000, s2;
	s6 =	simm.s32 $0x108;
	_ =	swait.ge @!p0 [sflag:s8], $0x0  }
0x24: {  	s3 =	sadd.s32 $0x88, s3;
	s6 =	simm.s32 @!p1 $0x1082;
	[sflag:s4] =	ssyncset.s32 $0xFFFFF086  }
0x25: {  	[simem:s6], [sflag:s4] =	dma.local [hbm:s3], $0xF7A  }
0x26: {  	[smem:$0x3F9E] =	sst s1;
	(tag) =	ssettag s2;
	_ =	strace s9  }
0x27: {  	s1 =	sld [smem:$0x3FAE]  }
0x28: {  	s2 =	sld [smem:$0x3FAF]  }
0x29: {  	s4 =	sld [smem:$0x3FB1]  }
0x2a: {  	p0 =	seq.s32 s5, $0x0;
	s5 =	sld [smem:$0x3FB2]  }
0x2b: {  	s6 =	sld [smem:$0x3FB3]  }
0x2c: {  	s7 =	sld [smem:$0x3FB4]  }
0x2d: {  	s3 =	simm.s32 $0x108;
	s8 =	sld [smem:$0x3FB5]  }
0x2e: {  	s3 =	simm.s32 @!p0 $0x1082;
	s9 =	sld [smem:$0x3FB6]  }
0x2f: {  	lr =	sadd.s32 s0, s3;
	s0 =	sld [smem:$0x3FAD]  }
0x30: {  	s3 =	sld [smem:$0x3FB0]  }
0x31: {  	[smem:$0x3FB9] =	sst s10  }
0x32: {  	s10 =	sld [smem:$0x3FB7];
	_ =	sdelay $0x3  }
0x33: {  	p0 =	seq.s32 s10, $0x1;
	s10 =	sld [smem:$0x3FB9];
	_ =	sdelay $0x3  }
0x34: {  	[smem:$0x3FB9] =	sst s10  }
0x35: {  	s10 =	sld [smem:$0x3FB8];
	_ =	sdelay $0x3  }
0x36: {  	p1 =	seq.s32 s10, $0x1;
	s10 =	sld [smem:$0x3FB9];
	_ =	sdelay $0x3  }
0x37: {  	[smem:$0x3FB9] =	sst s10  }
0x38: {  	s10 =	sld [smem:$0x3FBA]  }
0x39: {  	_ = 	snop;
	(pc) =	sbr.ind lr, $3  }
0x3a: {  	_ = 	snop  }
0x3b: {  	_ = 	snop  }
0x3c: {  	p2 =	seq.s32 s10, $0x1;
	s10 =	sld [smem:$0x3FB9]  }
0x3d: {  	_ =	shalt  }
0x3e: {  	_ =	shalt  }
0x3f: {  	_ =	shalt  }
0x40: {  	_ =	shalt  }
0x41: {  	_ =	shalt  }
0x42: {  	_ =	shalt  }
0x43: {  	_ =	shalt  }
0x44: {  	_ =	shalt  }
0x45: {  	_ =	shalt  }
0x46: {  	_ =	shalt  }
0x47: {  	_ =	shalt  }
0x48: {  	_ =	shalt  }
0x49: {  	_ =	shalt  }
0x4a: {  	_ =	shalt  }
0x4b: {  	_ =	shalt  }
0x4c: {  	_ =	shalt  }
0x4d: {  	_ =	shalt  }
0x4e: {  	_ =	shalt  }
0x4f: {  	_ =	shalt  }
0x50: {  	_ =	shalt  }
0x51: {  	_ =	shalt  }
0x52: {  	_ =	shalt  }
0x53: {  	_ =	shalt  }
0x54: {  	_ =	shalt  }
0x55: {  	_ =	shalt  }
0x56: {  	_ =	shalt  }
0x57: {  	_ =	shalt  }
0x58: {  	_ =	shalt  }
0x59: {  	_ =	shalt  }
0x5a: {  	_ =	shalt  }
0x5b: {  	_ =	shalt  }
0x5c: {  	_ =	shalt  }
0x5d: {  	_ =	shalt  }
0x5e: {  	_ =	shalt  }
0x5f: {  	_ =	shalt  }
0x60: {  	_ =	shalt  }
0x61: {  	_ =	shalt  }
0x62: {  	_ =	shalt  }
0x63: {  	_ =	shalt  }
0x64: {  	_ =	shalt  }
0x65: {  	_ =	shalt  }
0x66: {  	_ =	shalt  }
0x67: {  	_ =	shalt  }
0x68: {  	_ =	shalt  }
0x69: {  	_ =	shalt  }
0x6a: {  	_ =	shalt  }
0x6b: {  	_ =	shalt  }
0x6c: {  	_ =	shalt  }
0x6d: {  	_ =	shalt  }
0x6e: {  	_ =	shalt  }
0x6f: {  	_ =	shalt  }
0x70: {  	_ =	shalt  }
0x71: {  	_ =	shalt  }
0x72: {  	_ =	shalt  }
0x73: {  	_ =	shalt  }
0x74: {  	_ =	shalt  }
0x75: {  	_ =	shalt  }
0x76: {  	_ =	shalt  }
0x77: {  	_ =	shalt  }
0x78: {  	_ =	shalt  }
0x79: {  	_ =	shalt  }
0x7a: {  	_ =	shalt  }
0x7b: {  	_ =	shalt  }
0x7c: {  	_ =	shalt  }
0x7d: {  	_ =	shalt  }
0x7e: {  	_ =	shalt  }
0x7f: {  	_ =	shalt  }
0x80: {  	_ =	shalt  }
0x81: {  	_ =	shalt  }
0x82: {  	_ =	shalt  }
0x83: {  	_ =	shalt  }
0x84: {  	_ =	shalt  }
0x85: {  	_ =	shalt  }
0x86: {  	_ =	shalt  }
0x87: {  	_ =	shalt  }
.Lfunc_end0:
.L_simem_size_0:
called_computation_lowered:
.L_overlay_start_0:
0x88: {  	s2 =	sld [smem:$0x3FD9]  }
0x89: {  	s3 =	sld [smem:$0x3FFE];
	_ =	sdelay $0x1  }
0x8a: {  	s1 =	srdreg.scid  }
0x8b: {  	s0 =	sand.u32 $0x1, s1  }
0x8c: {  	s17 =	sshll.u32 s0, $0xA;
	s2 =	sadd.s32 s3, s2  }
0x8d: {  	s2 =	sadd.s32 s2, s17  }
0x8e: {  	[smem:$0x3FC5] =	sst s2  }
0x8f: {  	_ = 	snop  }
0x90: {  	s2 =	sld [smem:$0x3FD0];
	(tm) =	ssettm $0x1  }
0x91: {  	s18 =	sld [smem:$0x3FFB];
	_ =	sdelay $0x3  }
0x92: {  	_ =	strace s18  }
0x93: {  	s3 =	sld [smem:$0x3FFC];
	_ =	sdelay $0x3  }
0x94: {  	_ =	strace s3  }
0x95: {  	s3 =	sld [smem:$0x3FFD];
	_ =	sdelay $0x3  }
0x96: {  	_ =	strace s3  }
0x97: {  	_ =	strace $0x8FFFFFFF  }
0x98: {  	s19 =	sld [smem:$0x3FDB];
	_ =	sdelay $0x1  }
0x99: {  	s4 =	simm.s32 $_scs_section_size  }
0x9a: {  	s5 =	simm.s32 $_size__tile_overlayer_lowered;
	s6 =	simm.s32 $_tile_overlayer_lowered  }
0x9b: {  	s22 =	simm.s32 $0x1BFF;
	s21 =	sshll.u32 s6, $0x1;
	s3 =	sadd.s32 s4, s19  }
0x9c: {  	s7 =	simm.s32 $0x0;
	s20 =	sshll.u32 s5, $0x1;
	s5 =	sadd.s32 s21, s3  }
0x9d: {  	[timem:s7], [sflag:s22] =	dma.local [hbm:s5], s20  }
0x9e: {  	_ =	swait.ge [sflag:s22], s20  }
0x9f: {  	s4 =	ssub.s32 $0x0, s20;
	[sflag:s22] =	ssyncset.done $0x0  }
0xa0: {  	[sflag:s22] =	ssyncadd.s32 s4;
	_ =	sdelay $0x1  }
0xa1: {  	s23 =	simm.s32 $0x1B8B  }
0xa2: {  	_ =	swait.ge [sflag:s23], $0x1  }
0xa3: {  	[sflag:s23] =	ssyncset.done $0x0  }
0xa4: {  	s25 =	simm.s32 $0x1B8E;
	s24 =	sld [smem:$0x3FFE];
	[sflag:s23] =	ssyncadd.s32 $0xFFFFFFFF  }
0xa5: {  	s26 =	simm.s32 $execute0_lowered;
	[smem:$0x3FD2] =	sst s25  }
0xa6: {  	s5 =	sshll.u32 s26, $0x1;
	_ =	strace $0x80000046;
	[dreg:$0x1] =	wrdreg $0xFFFFFFFF  }
0xa7: {  	s28 =	simm.s32 $_size_execute0_lowered;
	s3 =	sadd.s32 s3, s5;
	[dreg:$0x0] =	wrdreg $0x0  }
0xa8: {  	s5 =	sshll.u32 s28, $0x1;
	[dreg:$0x2] =	wrdreg s3  }
0xa9: {  	[dreg:$0x3] =	wrdreg s5  }
0xaa: {  	[dreg:$0x4] =	wrdreg $0xC0  }
0xab: {  	_ =	task [dreg:s7], $0x5FFFF  }
0xac: {  	[dreg:$0x1] =	wrdreg $0xFFFFFFFF  }
0xad: {  	[dreg:$0x0] =	wrdreg $0x60  }
0xae: {  	[dreg:$0x2] =	wrdreg s24  }
0xaf: {  	[dreg:$0x3] =	wrdreg s2  }
0xb0: {  	[dreg:$0x4] =	wrdreg $0x9  }
0xb1: {  	_ =	task.clear_ibuf [dreg:s7], $0x5FFFF;
	_ =	strace $0x90000046  }
0xb2: {  	s29 =	simm.s32 $0x9;
	_ =	strace $0x80000048  }
0xb3: {  	_ =	swait.ge [sflag:s29], $0x1  }
0xb4: {  	[sflag:s29] =	ssyncadd.s32 $0xFFFFFFFF  }
0xb5: {  	_ =	strace $0x90000048  }
0xb6: {  	_ =	sfence  }
0xb7: {  	s30 =	sld [smem:$0x0];
	_ =	sdelay $0x2  }
0xb8: {  	s31 =	sshll.u32 s1, $0xD;
	s1 =	sshrl.u32 s1, $0x2  }
0xb9: {  	s3 =	sand.u32 $0x4000, s31;
	s1 =	sadd.s32 s1, s30  }
0xba: {  	s0 =	sor.u32 s3, s0;
	s1 =	sshll.u32 s1, $0x11  }
0xbb: {  	s0 =	sor.u32 s1, s0  }
0xbc: {  	s0 =	sadd.s32 $0x8F2B, s0  }
0xbd: {  	[sflag:s0] =	ssyncadd.remote.s32 $0x1  }
0xbe: {  	_ =	sfence.sel $0xFFFF  }
0xbf: {  	[dreg:$0x0] =	wrdreg $0xFFFFFFFF;
	(pc) =	sbr.abs _section_cstart, $3  }
0xc0: {  	[dreg:$0x1] =	wrdreg $0xFFFFFFFF  }
0xc1: {  	_ =	task.clear_ibuf [dreg:s7], $0x2FFFF;
	_ =	strace $0x9FFFFFFF  }
0xc2: {  	(tm) =	ssettm $0x7FFFFFFF  }
0xc3: {  	_ =	shalt  }
tec
execute0_lowered:
.L_overlay_start_1:
0x0: {  	(tag) =	ssettag $0x1  }
0x1: {  	s0 =	rddreg [dreg:$0x0];
	s1 =	srdreg.scid  }
0x2: {  	s9 =	stileid.u32;
	s2 =	rddreg [dreg:$0x1];
	s3 =	simm.s32 $0x0  }
0x3: {  	s29 =	simm.s32 $0x2;
	s28 =	simm.s32 $0x123C0;
	s30 =	simm.s32 $0x12448  }
0x4: {  	s31 =	simm.s32 $0x124D0;
	s18 =	simm.s32 $0x12668;
	s20 =	simm.s32 $0x126F0  }
0x5: {  	s15 =	simm.s32 $0x0;
	s21 =	simm.s32 $0x80;
	s1 =	sand.u32 $0x1, s1  }
0x6: {  	s4 =	sshll.u32 s9, $0x1;
	[smem:$0x7FF] =	sst s3;
	s14 =	smul.u32 $0xC800, s9  }
0x7: {  	s7 =	sadd.s32 $0x1000, s2;
	s8 =	sadd.s32 $0x2000, s2;
	s24 =	smul.u32 $0x64000, s9  }
0x8: {  	s9 =	sadd.s32 $0x3000, s2;
	s10 =	sadd.s32 $0x4000, s2;
	s11 =	sadd.s32 $0x5000, s2  }
0x9: {  	s12 =	sadd.s32 $0x6000, s2;
	s13 =	sadd.s32 $0x7000, s2;
	s23 =	smul.u32 $0x6400, s1  }
0xa: {  	s4 =	sor.u32 s1, s4;
	s6 =	ssub.s32 $0x2, s1;
	s1 =	smul.u32 $0x32000, s1  }
0xb: {  	_ =	strace $0x80000047;
	s4 =	smul.u32 $0xC80, s4;
	s22 =	sshrl.u32 s6, $0x1  }
0xc: {  	s25 =	sadd.s32 s23, s14;
	s26 =	sadd.s32 s1, s24;
	s24 =	simm.s32 $0x12228  }
0xd: {  	s1 =	simm.s32 $0x12558;
	s5 =	sadd.s32 s4, s0;
	s4 =	sadd.s32 $0xF5C400, s0  }
.Ltmp0:
0xe: {  	s0 =	sadd.s32 $0xF5BC00, s0;
	[dreg:$0x6] =	wrdreg s25;
	(pc) =	sbr.rel .LBB2_1-.Ltmp0, $4  }
0xf: {  	[dreg:$0x7] =	wrdreg s26;
	s25 =	simm.s32 $0x122B0;
	s26 =	simm.s32 $0x12338  }
0x10: {  	[dreg:$0x3] =	wrdreg s0;
	s0 =	ssub.s32 s6, s22;
	s5 =	sadd.s32 $0xF42C00, s5  }
0x11: {  	s22 =	simm.s32 $0x1;
	[dreg:$0x4] =	wrdreg s5;
	s0 =	smax.u32 s0, $0x1  }
0x12: {  	s5 =	simm.s32 $0x12778;
	[dreg:$0x5] =	wrdreg s0;
	s0 =	simm.s32 $0x125E0  }
.LBB2_4:
0x13: {  	s6 =	simm.s32 $0x3  }
0x14: {  	_ =	swait.ge [sflag:s6], $0x400  }
0x15: {  	[sflag:s6] =	ssyncset.done $0x0  }
0x16: {  	[sflag:s6] =	ssyncadd.s32 $0xFFFFFC00  }
0x17: {  	_ =	swait.ge [sflag:s6], $0x400  }
0x18: {  	[sflag:s6] =	ssyncset.done $0x0  }
0x19: {  	[sflag:s6] =	ssyncadd.s32 $0xFFFFFC00  }
0x1a: {  	_ =	swait.ge [sflag:s6], $0x400  }
0x1b: {  	[sflag:s6] =	ssyncset.done $0x0  }
0x1c: {  	[sflag:s6] =	ssyncadd.s32 $0xFFFFFC00  }
0x1d: {  	_ =	swait.ge [sflag:s6], $0x400  }
0x1e: {  	[sflag:s6] =	ssyncset.done $0x0  }
0x1f: {  	[sflag:s6] =	ssyncadd.s32 $0xFFFFFC00  }
0x20: {  	_ =	swait.ge [sflag:s6], $0x400  }
0x21: {  	[sflag:s6] =	ssyncset.done $0x0  }
0x22: {  	[sflag:s6] =	ssyncadd.s32 $0xFFFFFC00  }
0x23: {  	_ =	swait.ge [sflag:s6], $0x400  }
0x24: {  	[sflag:s6] =	ssyncset.done $0x0  }
0x25: {  	[sflag:s6] =	ssyncadd.s32 $0xFFFFFC00  }
0x26: {  	_ =	swait.ge [sflag:s6], $0x400  }
0x27: {  	[sflag:s6] =	ssyncset.done $0x0  }
0x28: {  	[sflag:s6] =	ssyncadd.s32 $0xFFFFFC00  }
0x29: {  	_ =	swait.ge [sflag:s6], $0x400  }
0x2a: {  	[sflag:s6] =	ssyncset.done $0x0  }
0x2b: {  	s14 =	simm.s32 $0x4;
	[sflag:s6] =	ssyncadd.s32 $0xFFFFFC00  }
0x2c: {  	_ =	swait.ge [sflag:s14], $0x400  }
0x2d: {  	[sflag:s14] =	ssyncset.done $0x0  }
0x2e: {  	[sflag:s14] =	ssyncadd.s32 $0xFFFFFC00  }
0x2f: {  	_ =	swait.ge [sflag:s14], $0x400  }
0x30: {  	[sflag:s14] =	ssyncset.done $0x0  }
0x31: {  	[sflag:s14] =	ssyncadd.s32 $0xFFFFFC00  }
0x32: {  	_ =	swait.ge [sflag:s14], $0x400  }
0x33: {  	[sflag:s14] =	ssyncset.done $0x0  }
0x34: {  	[sflag:s14] =	ssyncadd.s32 $0xFFFFFC00  }
0x35: {  	_ =	swait.ge [sflag:s14], $0x400  }
0x36: {  	[sflag:s14] =	ssyncset.done $0x0  }
0x37: {  	[sflag:s14] =	ssyncadd.s32 $0xFFFFFC00  }
0x38: {  	_ =	swait.ge [sflag:s14], $0x400  }
0x39: {  	[sflag:s14] =	ssyncset.done $0x0  }
0x3a: {  	[sflag:s14] =	ssyncadd.s32 $0xFFFFFC00  }
0x3b: {  	_ =	swait.ge [sflag:s14], $0x400  }
0x3c: {  	[sflag:s14] =	ssyncset.done $0x0  }
0x3d: {  	[sflag:s14] =	ssyncadd.s32 $0xFFFFFC00  }
0x3e: {  	_ =	swait.ge [sflag:s14], $0x400  }
0x3f: {  	[sflag:s14] =	ssyncset.done $0x0  }
0x40: {  	[sflag:s14] =	ssyncadd.s32 $0xFFFFFC00  }
0x41: {  	_ =	swait.ge [sflag:s14], $0x400  }
0x42: {  	s15 =	rddreg [dreg:$0x8]  }
0x43: {  	s23 =	rddreg [dreg:$0x5];
	s15 =	sadd.s32 $0x1, s15  }
0x44: {  	p0 =	sne.s32 s15, s23  }
.Ltmp1:
0x45: {  	_ = 	snop;
	(pc) =	sbr.rel @!p0 .LBB2_5-.Ltmp1, $3  }
0x46: {  	_ =	sdelay $0x1  }
0x47: {  	[sflag:s14] =	ssyncset.done $0x0  }
0x48: {  	[sflag:s14] =	ssyncadd.s32 $0xFFFFFC00  }
.LBB2_1:
0x49: {  	[dreg:$0x8] =	wrdreg s15  }
0x4a: {  	s6 =	rddreg [dreg:$0x4];
	s14 =	simm.s32 $0x5  }
0x4b: {  	[tilespmem:s3], [sflag:$0x5] =	stream.linear.gather [hbm4b:s6+s3], $0x6400, $0x38;
	[tilespmem:$0x15A00] =	vst v63  }
0x4c: {  	_ =	swait.ge [sflag:s14], $0x6400  }
0x4d: {  	[sflag:s14] =	ssyncset.done $0x0  }
0x4e: {  	s16 =	simm.s32 $0x12800;
	s15 =	rddreg [dreg:$0x3];
	[sflag:s14] =	ssyncadd.s32 $0xFFFF9C00  }
0x4f: {  	[tilespmem:s16], [sflag:$0x5] =	stream.linear.gather [hbm4b:s15+s3], $0x3200, $0x38;
	[tilespmem:$0x15A00] =	vst v63  }
0x50: {  	_ =	swait.ge [sflag:s14], $0x3200  }
0x51: {  	s17 =	simm.s32 $0x80;
	[sflag:s14] =	ssyncset.done $0x0  }
0x52: {  	s19 =	simm.s32 $0x6400;
	s6 =	rddreg [dreg:$0x7];
	[sflag:s14] =	ssyncadd.s32 $0xFFFFCE00  }
0x53: {  	[tilespmem:s19], [sflag:$0x1] =	stream.indirect.gather [hbm4b:s4+s17], $0x80, s3, s17, $0xb8;
	[tilespmem:$0x15A00] =	vst v63  }
0x54: {  	s23 =	simm.s32 $0xA400;
	s14 =	simm.s32 $0x0;
	s19 =	rddreg [dreg:$0x6]  }
0x55: {  	[tilespmem:s23], [sflag:$0x2] =	stream.indirect.gather [hbm4b:s4+s17], $0x80, s17, s17, $0xb8;
	[tilespmem:$0x15A00] =	vst v63  }
.LBB2_2:
0x56: {  	_ =	swait.ge [sflag:s22], $0x4000  }
0x57: {  	p0 =	seq.s32 s14, $0x0;
	[sflag:s22] =	ssyncset.done $0x0  }
0x58: {  	s16 =	simm.s32 @!p0 $0x3;
	[sflag:s22] =	ssyncadd.s32 $0xFFFFC000  }
0x59: {  	_ =	swait.ge @!p0 [sflag:s16], $0x400  }
0x5a: {  	[sflag:s16] =	ssyncset.done @!p0 $0x0  }
0x5b: {  	[sflag:s16] =	ssyncadd.s32 @!p0 $0xFFFFFC00  }
0x5c: {  	_ =	swait.ge @!p0 [sflag:s16], $0x400  }
0x5d: {  	[sflag:s16] =	ssyncset.done @!p0 $0x0  }
0x5e: {  	[sflag:s16] =	ssyncadd.s32 @!p0 $0xFFFFFC00  }
0x5f: {  	_ =	swait.ge @!p0 [sflag:s16], $0x400  }
0x60: {  	[sflag:s16] =	ssyncset.done @!p0 $0x0  }
0x61: {  	[sflag:s16] =	ssyncadd.s32 @!p0 $0xFFFFFC00  }
0x62: {  	_ =	swait.ge @!p0 [sflag:s16], $0x400  }
0x63: {  	[sflag:s16] =	ssyncset.done @!p0 $0x0  }
0x64: {  	[sflag:s16] =	ssyncadd.s32 @!p0 $0xFFFFFC00  }
0x65: {  	_ =	swait.ge @!p0 [sflag:s16], $0x400  }
0x66: {  	[sflag:s16] =	ssyncset.done @!p0 $0x0  }
0x67: {  	[sflag:s16] =	ssyncadd.s32 @!p0 $0xFFFFFC00  }
0x68: {  	_ =	swait.ge @!p0 [sflag:s16], $0x400  }
0x69: {  	[sflag:s16] =	ssyncset.done @!p0 $0x0  }
0x6a: {  	[sflag:s16] =	ssyncadd.s32 @!p0 $0xFFFFFC00  }
0x6b: {  	_ =	swait.ge @!p0 [sflag:s16], $0x400  }
0x6c: {  	[sflag:s16] =	ssyncset.done @!p0 $0x0  }
0x6d: {  	[sflag:s16] =	ssyncadd.s32 @!p0 $0xFFFFFC00  }
0x6e: {  	s15 =	sand.u32 $0xFFF8000, s6;
	s17 =	sand.u32 $0xF00, s19;
	_ =	swait.ge @!p0 [sflag:s16], $0x400  }
0x6f: {  	s15 =	sor.u32 s17, s15;
	[sflag:s16] =	ssyncset.done @!p0 $0x0  }
0x70: {  	s23 =	simm.s32 $0xE400;
	[sflag:s16] =	ssyncadd.s32 @!p0 $0xFFFFFC00;
	s16 =	sadd.s32 s2, s15  }
0x71: {  	[hbm4b:s16+s3] =	stream.linear.scatter [tilespmem:s23], [sflag:$0x3], $0x80, $0x38;
	[tilespmem:$0x15A00] =	vst v63  }
0x72: {  	s17 =	sadd.s32 $0x10, s16;
	s23 =	simm.s32 $0xE488  }
0x73: {  	[hbm4b:s17+s3] =	stream.linear.scatter [tilespmem:s23], [sflag:$0x3], $0x80, $0x38;
	[tilespmem:$0x15A00] =	vst v63  }
0x74: {  	s17 =	sadd.s32 $0x20, s16;
	s23 =	simm.s32 $0xE510  }
0x75: {  	[hbm4b:s17+s3] =	stream.linear.scatter [tilespmem:s23], [sflag:$0x3], $0x80, $0x38;
	[tilespmem:$0x15A00] =	vst v63  }
0x76: {  	s17 =	sadd.s32 $0x30, s16;
	s23 =	simm.s32 $0xE598  }
0x77: {  	[hbm4b:s17+s3] =	stream.linear.scatter [tilespmem:s23], [sflag:$0x3], $0x80, $0x38;
	[tilespmem:$0x15A00] =	vst v63  }
0x78: {  	s17 =	sadd.s32 $0x40, s16;
	s23 =	simm.s32 $0xE620  }
0x79: {  	[hbm4b:s17+s3] =	stream.linear.scatter [tilespmem:s23], [sflag:$0x3], $0x80, $0x38;
	[tilespmem:$0x15A00] =	vst v63  }
0x7a: {  	s17 =	sadd.s32 $0x50, s16;
	s23 =	simm.s32 $0xE6A8  }
0x7b: {  	[hbm4b:s17+s3] =	stream.linear.scatter [tilespmem:s23], [sflag:$0x3], $0x80, $0x38;
	[tilespmem:$0x15A00] =	vst v63  }
0x7c: {  	s17 =	sadd.s32 $0x60, s16;
	s23 =	simm.s32 $0xE730  }
0x7d: {  	[hbm4b:s17+s3] =	stream.linear.scatter [tilespmem:s23], [sflag:$0x3], $0x80, $0x38;
	[tilespmem:$0x15A00] =	vst v63  }
0x7e: {  	s16 =	sadd.s32 $0x70, s16;
	s23 =	simm.s32 $0xE7B8  }
0x7f: {  	[hbm4b:s16+s3] =	stream.linear.scatter [tilespmem:s23], [sflag:$0x3], $0x80, $0x38;
	[tilespmem:$0x15A00] =	vst v63  }
0x80: {  	s16 =	sadd.s32 s15, s7;
	s23 =	simm.s32 $0xE840  }
0x81: {  	[hbm4b:s16+s3] =	stream.linear.scatter [tilespmem:s23], [sflag:$0x3], $0x80, $0x38;
	[tilespmem:$0x15A00] =	vst v63  }
0x82: {  	s17 =	sadd.s32 $0x10, s16;
	s23 =	simm.s32 $0xE8C8  }
0x83: {  	[hbm4b:s17+s3] =	stream.linear.scatter [tilespmem:s23], [sflag:$0x3], $0x80, $0x38;
	[tilespmem:$0x15A00] =	vst v63  }
0x84: {  	s17 =	sadd.s32 $0x20, s16;
	s23 =	simm.s32 $0xE950  }
0x85: {  	[hbm4b:s17+s3] =	stream.linear.scatter [tilespmem:s23], [sflag:$0x3], $0x80, $0x38;
	[tilespmem:$0x15A00] =	vst v63  }
0x86: {  	s17 =	sadd.s32 $0x30, s16;
	s23 =	simm.s32 $0xE9D8  }
0x87: {  	[hbm4b:s17+s3] =	stream.linear.scatter [tilespmem:s23], [sflag:$0x3], $0x80, $0x38;
	[tilespmem:$0x15A00] =	vst v63  }
0x88: {  	s17 =	sadd.s32 $0x40, s16;
	s23 =	simm.s32 $0xEA60  }
0x89: {  	[hbm4b:s17+s3] =	stream.linear.scatter [tilespmem:s23], [sflag:$0x3], $0x80, $0x38;
	[tilespmem:$0x15A00] =	vst v63  }
0x8a: {  	s17 =	sadd.s32 $0x50, s16;
	s23 =	simm.s32 $0xEAE8  }
0x8b: {  	[hbm4b:s17+s3] =	stream.linear.scatter [tilespmem:s23], [sflag:$0x3], $0x80, $0x38;
	[tilespmem:$0x15A00] =	vst v63  }
0x8c: {  	s17 =	sadd.s32 $0x60, s16;
	s23 =	simm.s32 $0xEB70  }
0x8d: {  	[hbm4b:s17+s3] =	stream.linear.scatter [tilespmem:s23], [sflag:$0x3], $0x80, $0x38;
	[tilespmem:$0x15A00] =	vst v63  }
0x8e: {  	s16 =	sadd.s32 $0x70, s16;
	s23 =	simm.s32 $0xEBF8  }
0x8f: {  	[hbm4b:s16+s3] =	stream.linear.scatter [tilespmem:s23], [sflag:$0x3], $0x80, $0x38;
	[tilespmem:$0x15A00] =	vst v63  }
0x90: {  	s16 =	sadd.s32 s15, s8;
	s23 =	simm.s32 $0xEC80  }
0x91: {  	[hbm4b:s16+s3] =	stream.linear.scatter [tilespmem:s23], [sflag:$0x3], $0x80, $0x38;
	[tilespmem:$0x15A00] =	vst v63  }
0x92: {  	s17 =	sadd.s32 $0x10, s16;
	s23 =	simm.s32 $0xED08  }
0x93: {  	[hbm4b:s17+s3] =	stream.linear.scatter [tilespmem:s23], [sflag:$0x3], $0x80, $0x38;
	[tilespmem:$0x15A00] =	vst v63  }
0x94: {  	s17 =	sadd.s32 $0x20, s16;
	s23 =	simm.s32 $0xED90  }
0x95: {  	[hbm4b:s17+s3] =	stream.linear.scatter [tilespmem:s23], [sflag:$0x3], $0x80, $0x38;
	[tilespmem:$0x15A00] =	vst v63  }
0x96: {  	s17 =	sadd.s32 $0x30, s16;
	s23 =	simm.s32 $0xEE18  }
0x97: {  	[hbm4b:s17+s3] =	stream.linear.scatter [tilespmem:s23], [sflag:$0x3], $0x80, $0x38;
	[tilespmem:$0x15A00] =	vst v63  }
0x98: {  	s17 =	sadd.s32 $0x40, s16;
	s23 =	simm.s32 $0xEEA0  }
0x99: {  	[hbm4b:s17+s3] =	stream.linear.scatter [tilespmem:s23], [sflag:$0x3], $0x80, $0x38;
	[tilespmem:$0x15A00] =	vst v63  }
0x9a: {  	s17 =	sadd.s32 $0x50, s16;
	s23 =	simm.s32 $0xEF28  }
0x9b: {  	[hbm4b:s17+s3] =	stream.linear.scatter [tilespmem:s23], [sflag:$0x3], $0x80, $0x38;
	[tilespmem:$0x15A00] =	vst v63  }
0x9c: {  	s17 =	sadd.s32 $0x60, s16;
	s23 =	simm.s32 $0xEFB0  }
0x9d: {  	[hbm4b:s17+s3] =	stream.linear.scatter [tilespmem:s23], [sflag:$0x3], $0x80, $0x38;
	[tilespmem:$0x15A00] =	vst v63  }
0x9e: {  	s16 =	sadd.s32 $0x70, s16;
	s23 =	simm.s32 $0xF038  }
0x9f: {  	[hbm4b:s16+s3] =	stream.linear.scatter [tilespmem:s23], [sflag:$0x3], $0x80, $0x38;
	[tilespmem:$0x15A00] =	vst v63  }
0xa0: {  	s16 =	sadd.s32 s15, s9;
	s23 =	simm.s32 $0xF0C0  }
0xa1: {  	[hbm4b:s16+s3] =	stream.linear.scatter [tilespmem:s23], [sflag:$0x3], $0x80, $0x38;
	[tilespmem:$0x15A00] =	vst v63  }
0xa2: {  	s17 =	sadd.s32 $0x10, s16;
	s23 =	simm.s32 $0xF148  }
0xa3: {  	[hbm4b:s17+s3] =	stream.linear.scatter [tilespmem:s23], [sflag:$0x3], $0x80, $0x38;
	[tilespmem:$0x15A00] =	vst v63  }
0xa4: {  	s17 =	sadd.s32 $0x20, s16;
	s23 =	simm.s32 $0xF1D0  }
0xa5: {  	[hbm4b:s17+s3] =	stream.linear.scatter [tilespmem:s23], [sflag:$0x3], $0x80, $0x38;
	[tilespmem:$0x15A00] =	vst v63  }
0xa6: {  	s17 =	sadd.s32 $0x30, s16;
	s23 =	simm.s32 $0xF258  }
0xa7: {  	[hbm4b:s17+s3] =	stream.linear.scatter [tilespmem:s23], [sflag:$0x3], $0x80, $0x38;
	[tilespmem:$0x15A00] =	vst v63  }
0xa8: {  	s17 =	sadd.s32 $0x40, s16;
	s23 =	simm.s32 $0xF2E0  }
0xa9: {  	[hbm4b:s17+s3] =	stream.linear.scatter [tilespmem:s23], [sflag:$0x3], $0x80, $0x38;
	[tilespmem:$0x15A00] =	vst v63  }
0xaa: {  	s17 =	sadd.s32 $0x50, s16;
	s23 =	simm.s32 $0xF368  }
0xab: {  	[hbm4b:s17+s3] =	stream.linear.scatter [tilespmem:s23], [sflag:$0x3], $0x80, $0x38;
	[tilespmem:$0x15A00] =	vst v63  }
0xac: {  	s17 =	sadd.s32 $0x60, s16;
	s23 =	simm.s32 $0xF3F0  }
0xad: {  	[hbm4b:s17+s3] =	stream.linear.scatter [tilespmem:s23], [sflag:$0x3], $0x80, $0x38;
	[tilespmem:$0x15A00] =	vst v63  }
0xae: {  	s16 =	sadd.s32 $0x70, s16;
	s23 =	simm.s32 $0xF478  }
0xaf: {  	[hbm4b:s16+s3] =	stream.linear.scatter [tilespmem:s23], [sflag:$0x3], $0x80, $0x38;
	[tilespmem:$0x15A00] =	vst v63  }
0xb0: {  	s16 =	sadd.s32 s15, s10;
	s23 =	simm.s32 $0xF500  }
0xb1: {  	[hbm4b:s16+s3] =	stream.linear.scatter [tilespmem:s23], [sflag:$0x3], $0x80, $0x38;
	[tilespmem:$0x15A00] =	vst v63  }
0xb2: {  	s17 =	sadd.s32 $0x10, s16;
	s23 =	simm.s32 $0xF588  }
0xb3: {  	[hbm4b:s17+s3] =	stream.linear.scatter [tilespmem:s23], [sflag:$0x3], $0x80, $0x38;
	[tilespmem:$0x15A00] =	vst v63  }
0xb4: {  	s17 =	sadd.s32 $0x20, s16;
	s23 =	simm.s32 $0xF610  }
0xb5: {  	[hbm4b:s17+s3] =	stream.linear.scatter [tilespmem:s23], [sflag:$0x3], $0x80, $0x38;
	[tilespmem:$0x15A00] =	vst v63  }
0xb6: {  	s17 =	sadd.s32 $0x30, s16;
	s23 =	simm.s32 $0xF698  }
0xb7: {  	[hbm4b:s17+s3] =	stream.linear.scatter [tilespmem:s23], [sflag:$0x3], $0x80, $0x38;
	[tilespmem:$0x15A00] =	vst v63  }
0xb8: {  	s17 =	sadd.s32 $0x40, s16;
	s23 =	simm.s32 $0xF720  }
0xb9: {  	[hbm4b:s17+s3] =	stream.linear.scatter [tilespmem:s23], [sflag:$0x3], $0x80, $0x38;
	[tilespmem:$0x15A00] =	vst v63  }
0xba: {  	s17 =	sadd.s32 $0x50, s16;
	s23 =	simm.s32 $0xF7A8  }
0xbb: {  	[hbm4b:s17+s3] =	stream.linear.scatter [tilespmem:s23], [sflag:$0x3], $0x80, $0x38;
	[tilespmem:$0x15A00] =	vst v63  }
0xbc: {  	s17 =	sadd.s32 $0x60, s16;
	s23 =	simm.s32 $0xF830  }
0xbd: {  	[hbm4b:s17+s3] =	stream.linear.scatter [tilespmem:s23], [sflag:$0x3], $0x80, $0x38;
	[tilespmem:$0x15A00] =	vst v63  }
0xbe: {  	s16 =	sadd.s32 $0x70, s16;
	s23 =	simm.s32 $0xF8B8  }
0xbf: {  	[hbm4b:s16+s3] =	stream.linear.scatter [tilespmem:s23], [sflag:$0x3], $0x80, $0x38;
	[tilespmem:$0x15A00] =	vst v63  }
0xc0: {  	s16 =	sadd.s32 s15, s11;
	s23 =	simm.s32 $0xF940  }
0xc1: {  	[hbm4b:s16+s3] =	stream.linear.scatter [tilespmem:s23], [sflag:$0x3], $0x80, $0x38;
	[tilespmem:$0x15A00] =	vst v63  }
0xc2: {  	s17 =	sadd.s32 $0x10, s16;
	s23 =	simm.s32 $0xF9C8  }
0xc3: {  	[hbm4b:s17+s3] =	stream.linear.scatter [tilespmem:s23], [sflag:$0x3], $0x80, $0x38;
	[tilespmem:$0x15A00] =	vst v63  }
0xc4: {  	s17 =	sadd.s32 $0x20, s16;
	s23 =	simm.s32 $0xFA50  }
0xc5: {  	[hbm4b:s17+s3] =	stream.linear.scatter [tilespmem:s23], [sflag:$0x3], $0x80, $0x38;
	[tilespmem:$0x15A00] =	vst v63  }
0xc6: {  	s17 =	sadd.s32 $0x30, s16;
	s23 =	simm.s32 $0xFAD8  }
0xc7: {  	[hbm4b:s17+s3] =	stream.linear.scatter [tilespmem:s23], [sflag:$0x3], $0x80, $0x38;
	[tilespmem:$0x15A00] =	vst v63  }
0xc8: {  	s17 =	sadd.s32 $0x40, s16;
	s23 =	simm.s32 $0xFB60  }
0xc9: {  	[hbm4b:s17+s3] =	stream.linear.scatter [tilespmem:s23], [sflag:$0x3], $0x80, $0x38;
	[tilespmem:$0x15A00] =	vst v63  }
0xca: {  	s17 =	sadd.s32 $0x50, s16;
	s23 =	simm.s32 $0xFBE8  }
0xcb: {  	[hbm4b:s17+s3] =	stream.linear.scatter [tilespmem:s23], [sflag:$0x3], $0x80, $0x38;
	[tilespmem:$0x15A00] =	vst v63  }
0xcc: {  	s17 =	sadd.s32 $0x60, s16;
	s23 =	simm.s32 $0xFC70  }
0xcd: {  	[hbm4b:s17+s3] =	stream.linear.scatter [tilespmem:s23], [sflag:$0x3], $0x80, $0x38;
	[tilespmem:$0x15A00] =	vst v63  }
0xce: {  	s16 =	sadd.s32 $0x70, s16;
	s23 =	simm.s32 $0xFCF8  }
0xcf: {  	[hbm4b:s16+s3] =	stream.linear.scatter [tilespmem:s23], [sflag:$0x3], $0x80, $0x38;
	[tilespmem:$0x15A00] =	vst v63  }
0xd0: {  	s16 =	sadd.s32 s15, s12;
	s23 =	simm.s32 $0xFD80  }
0xd1: {  	[hbm4b:s16+s3] =	stream.linear.scatter [tilespmem:s23], [sflag:$0x3], $0x80, $0x38;
	[tilespmem:$0x15A00] =	vst v63  }
0xd2: {  	s17 =	sadd.s32 $0x10, s16;
	s23 =	simm.s32 $0xFE08  }
0xd3: {  	[hbm4b:s17+s3] =	stream.linear.scatter [tilespmem:s23], [sflag:$0x3], $0x80, $0x38;
	[tilespmem:$0x15A00] =	vst v63  }
0xd4: {  	s17 =	sadd.s32 $0x20, s16;
	s23 =	simm.s32 $0xFE90  }
0xd5: {  	[hbm4b:s17+s3] =	stream.linear.scatter [tilespmem:s23], [sflag:$0x3], $0x80, $0x38;
	[tilespmem:$0x15A00] =	vst v63  }
0xd6: {  	s17 =	sadd.s32 $0x30, s16;
	s23 =	simm.s32 $0xFF18  }
0xd7: {  	[hbm4b:s17+s3] =	stream.linear.scatter [tilespmem:s23], [sflag:$0x3], $0x80, $0x38;
	[tilespmem:$0x15A00] =	vst v63  }
0xd8: {  	s17 =	sadd.s32 $0x40, s16;
	s23 =	simm.s32 $0xFFA0  }
0xd9: {  	[hbm4b:s17+s3] =	stream.linear.scatter [tilespmem:s23], [sflag:$0x3], $0x80, $0x38;
	[tilespmem:$0x15A00] =	vst v63  }
0xda: {  	s17 =	sadd.s32 $0x50, s16;
	s23 =	simm.s32 $0x10028  }
0xdb: {  	[hbm4b:s17+s3] =	stream.linear.scatter [tilespmem:s23], [sflag:$0x3], $0x80, $0x38;
	[tilespmem:$0x15A00] =	vst v63  }
0xdc: {  	s17 =	sadd.s32 $0x60, s16;
	s23 =	simm.s32 $0x100B0  }
0xdd: {  	[hbm4b:s17+s3] =	stream.linear.scatter [tilespmem:s23], [sflag:$0x3], $0x80, $0x38;
	[tilespmem:$0x15A00] =	vst v63  }
0xde: {  	s16 =	sadd.s32 $0x70, s16;
	s23 =	simm.s32 $0x10138  }
0xdf: {  	[hbm4b:s16+s3] =	stream.linear.scatter [tilespmem:s23], [sflag:$0x3], $0x80, $0x38;
	[tilespmem:$0x15A00] =	vst v63  }
0xe0: {  	s15 =	sadd.s32 s15, s13;
	s23 =	simm.s32 $0x101C0  }
0xe1: {  	[hbm4b:s15+s3] =	stream.linear.scatter [tilespmem:s23], [sflag:$0x3], $0x80, $0x38;
	[tilespmem:$0x15A00] =	vst v63  }
0xe2: {  	s17 =	sadd.s32 $0x10, s15;
	s23 =	simm.s32 $0x10248  }
0xe3: {  	[hbm4b:s17+s3] =	stream.linear.scatter [tilespmem:s23], [sflag:$0x3], $0x80, $0x38;
	[tilespmem:$0x15A00] =	vst v63  }
0xe4: {  	s17 =	sadd.s32 $0x20, s15;
	s23 =	simm.s32 $0x102D0  }
0xe5: {  	[hbm4b:s17+s3] =	stream.linear.scatter [tilespmem:s23], [sflag:$0x3], $0x80, $0x38;
	[tilespmem:$0x15A00] =	vst v63  }
0xe6: {  	s17 =	sadd.s32 $0x30, s15;
	s23 =	simm.s32 $0x10358  }
0xe7: {  	[hbm4b:s17+s3] =	stream.linear.scatter [tilespmem:s23], [sflag:$0x3], $0x80, $0x38;
	[tilespmem:$0x15A00] =	vst v63  }
0xe8: {  	s17 =	sadd.s32 $0x40, s15;
	s23 =	simm.s32 $0x103E0  }
0xe9: {  	[hbm4b:s17+s3] =	stream.linear.scatter [tilespmem:s23], [sflag:$0x3], $0x80, $0x38;
	[tilespmem:$0x15A00] =	vst v63  }
0xea: {  	s17 =	sadd.s32 $0x50, s15;
	s23 =	simm.s32 $0x10468  }
0xeb: {  	[hbm4b:s17+s3] =	stream.linear.scatter [tilespmem:s23], [sflag:$0x3], $0x80, $0x38;
	[tilespmem:$0x15A00] =	vst v63  }
0xec: {  	s17 =	sadd.s32 $0x60, s15;
	s23 =	simm.s32 $0x104F0  }
0xed: {  	[hbm4b:s17+s3] =	stream.linear.scatter [tilespmem:s23], [sflag:$0x3], $0x80, $0x38;
	[tilespmem:$0x15A00] =	vst v63  }
0xee: {  	p1 =	seq.s32 s14, $0x18C00;
	s15 =	sadd.s32 $0x70, s15;
	s23 =	simm.s32 $0x10578  }
0xef: {  	[hbm4b:s15+s3] =	stream.linear.scatter [tilespmem:s23], [sflag:$0x3], $0x80, $0x38;
	[tilespmem:$0x15A00] =	vst v63  }
0xf0: {  	s15 =	sshra.s32 @!p1 s14, $0x2  }
0xf1: {  	s16 =	simm.s32 @!p1 $0x80;
	s17 =	simm.s32 @!p1 $0x6400;
	s15 =	sadd.s32 @!p1 $0x100, s15  }
0xf2: {  	[tilespmem:s17], [sflag:$0x1] =	stream.indirect.gather @!p1 [hbm4b:s4+s16], $0x80, s15, s16, $0xb8;
	[tilespmem:$0x15A00] =	vst v63  }
0xf3: {  	_ =	swait.ge [sflag:s29], $0x4000  }
0xf4: {  	[sflag:s29] =	ssyncset.done $0x0  }
0xf5: {  	s16 =	simm.s32 @!p0 $0x4;
	[sflag:s29] =	ssyncadd.s32 $0xFFFFC000  }
0xf6: {  	_ =	swait.ge @!p0 [sflag:s16], $0x400  }
0xf7: {  	[sflag:s16] =	ssyncset.done @!p0 $0x0  }
0xf8: {  	[sflag:s16] =	ssyncadd.s32 @!p0 $0xFFFFFC00  }
0xf9: {  	_ =	swait.ge @!p0 [sflag:s16], $0x400  }
0xfa: {  	[sflag:s16] =	ssyncset.done @!p0 $0x0  }
0xfb: {  	[sflag:s16] =	ssyncadd.s32 @!p0 $0xFFFFFC00  }
0xfc: {  	_ =	swait.ge @!p0 [sflag:s16], $0x400  }
0xfd: {  	[sflag:s16] =	ssyncset.done @!p0 $0x0  }
0xfe: {  	[sflag:s16] =	ssyncadd.s32 @!p0 $0xFFFFFC00  }
0xff: {  	_ =	swait.ge @!p0 [sflag:s16], $0x400  }
0x100: {  	[sflag:s16] =	ssyncset.done @!p0 $0x0  }
0x101: {  	[sflag:s16] =	ssyncadd.s32 @!p0 $0xFFFFFC00  }
0x102: {  	_ =	swait.ge @!p0 [sflag:s16], $0x400  }
0x103: {  	[sflag:s16] =	ssyncset.done @!p0 $0x0  }
0x104: {  	[sflag:s16] =	ssyncadd.s32 @!p0 $0xFFFFFC00  }
0x105: {  	_ =	swait.ge @!p0 [sflag:s16], $0x400  }
0x106: {  	[sflag:s16] =	ssyncset.done @!p0 $0x0  }
0x107: {  	[sflag:s16] =	ssyncadd.s32 @!p0 $0xFFFFFC00  }
0x108: {  	_ =	swait.ge @!p0 [sflag:s16], $0x400  }
0x109: {  	[sflag:s16] =	ssyncset.done @!p0 $0x0  }
0x10a: {  	s23 =	sadd.s32 $0x80, s19;
	s17 =	sadd.s32 $0x400, s6;
	[sflag:s16] =	ssyncadd.s32 @!p0 $0xFFFFFC00  }
0x10b: {  	s15 =	sand.u32 $0xFFF8000, s17;
	s17 =	sand.u32 $0xF80, s23;
	_ =	swait.ge @!p0 [sflag:s16], $0x400  }
0x10c: {  	s15 =	sor.u32 s17, s15;
	[sflag:s16] =	ssyncset.done @!p0 $0x0  }
0x10d: {  	s23 =	simm.s32 $0x10600;
	[sflag:s16] =	ssyncadd.s32 @!p0 $0xFFFFFC00;
	s16 =	sadd.s32 s2, s15  }
0x10e: {  	[hbm4b:s16+s3] =	stream.linear.scatter [tilespmem:s23], [sflag:$0x4], $0x80, $0x38;
	[tilespmem:$0x15A00] =	vst v63  }
0x10f: {  	s17 =	sadd.s32 $0x10, s16;
	s23 =	simm.s32 $0x10688  }
0x110: {  	[hbm4b:s17+s3] =	stream.linear.scatter [tilespmem:s23], [sflag:$0x4], $0x80, $0x38;
	[tilespmem:$0x15A00] =	vst v63  }
0x111: {  	s17 =	sadd.s32 $0x20, s16;
	s23 =	simm.s32 $0x10710  }
0x112: {  	[hbm4b:s17+s3] =	stream.linear.scatter [tilespmem:s23], [sflag:$0x4], $0x80, $0x38;
	[tilespmem:$0x15A00] =	vst v63  }
0x113: {  	s17 =	sadd.s32 $0x30, s16;
	s23 =	simm.s32 $0x10798  }
0x114: {  	[hbm4b:s17+s3] =	stream.linear.scatter [tilespmem:s23], [sflag:$0x4], $0x80, $0x38;
	[tilespmem:$0x15A00] =	vst v63  }
0x115: {  	s17 =	sadd.s32 $0x40, s16;
	s23 =	simm.s32 $0x10820  }
0x116: {  	[hbm4b:s17+s3] =	stream.linear.scatter [tilespmem:s23], [sflag:$0x4], $0x80, $0x38;
	[tilespmem:$0x15A00] =	vst v63  }
0x117: {  	s17 =	sadd.s32 $0x50, s16;
	s23 =	simm.s32 $0x108A8  }
0x118: {  	[hbm4b:s17+s3] =	stream.linear.scatter [tilespmem:s23], [sflag:$0x4], $0x80, $0x38;
	[tilespmem:$0x15A00] =	vst v63  }
0x119: {  	s17 =	sadd.s32 $0x60, s16;
	s23 =	simm.s32 $0x10930  }
0x11a: {  	[hbm4b:s17+s3] =	stream.linear.scatter [tilespmem:s23], [sflag:$0x4], $0x80, $0x38;
	[tilespmem:$0x15A00] =	vst v63  }
0x11b: {  	s16 =	sadd.s32 $0x70, s16;
	s23 =	simm.s32 $0x109B8  }
0x11c: {  	[hbm4b:s16+s3] =	stream.linear.scatter [tilespmem:s23], [sflag:$0x4], $0x80, $0x38;
	[tilespmem:$0x15A00] =	vst v63  }
0x11d: {  	s16 =	sadd.s32 s15, s7;
	s23 =	simm.s32 $0x10A40  }
0x11e: {  	[hbm4b:s16+s3] =	stream.linear.scatter [tilespmem:s23], [sflag:$0x4], $0x80, $0x38;
	[tilespmem:$0x15A00] =	vst v63  }
0x11f: {  	s17 =	sadd.s32 $0x10, s16;
	s23 =	simm.s32 $0x10AC8  }
0x120: {  	[hbm4b:s17+s3] =	stream.linear.scatter [tilespmem:s23], [sflag:$0x4], $0x80, $0x38;
	[tilespmem:$0x15A00] =	vst v63  }
0x121: {  	s17 =	sadd.s32 $0x20, s16;
	s23 =	simm.s32 $0x10B50  }
0x122: {  	[hbm4b:s17+s3] =	stream.linear.scatter [tilespmem:s23], [sflag:$0x4], $0x80, $0x38;
	[tilespmem:$0x15A00] =	vst v63  }
0x123: {  	s17 =	sadd.s32 $0x30, s16;
	s23 =	simm.s32 $0x10BD8  }
0x124: {  	[hbm4b:s17+s3] =	stream.linear.scatter [tilespmem:s23], [sflag:$0x4], $0x80, $0x38;
	[tilespmem:$0x15A00] =	vst v63  }
0x125: {  	s17 =	sadd.s32 $0x40, s16;
	s23 =	simm.s32 $0x10C60  }
0x126: {  	[hbm4b:s17+s3] =	stream.linear.scatter [tilespmem:s23], [sflag:$0x4], $0x80, $0x38;
	[tilespmem:$0x15A00] =	vst v63  }
0x127: {  	s17 =	sadd.s32 $0x50, s16;
	s23 =	simm.s32 $0x10CE8  }
0x128: {  	[hbm4b:s17+s3] =	stream.linear.scatter [tilespmem:s23], [sflag:$0x4], $0x80, $0x38;
	[tilespmem:$0x15A00] =	vst v63  }
0x129: {  	s17 =	sadd.s32 $0x60, s16;
	s23 =	simm.s32 $0x10D70  }
0x12a: {  	[hbm4b:s17+s3] =	stream.linear.scatter [tilespmem:s23], [sflag:$0x4], $0x80, $0x38;
	[tilespmem:$0x15A00] =	vst v63  }
0x12b: {  	s16 =	sadd.s32 $0x70, s16;
	s23 =	simm.s32 $0x10DF8  }
0x12c: {  	[hbm4b:s16+s3] =	stream.linear.scatter [tilespmem:s23], [sflag:$0x4], $0x80, $0x38;
	[tilespmem:$0x15A00] =	vst v63  }
0x12d: {  	s16 =	sadd.s32 s15, s8;
	s23 =	simm.s32 $0x10E80  }
0x12e: {  	[hbm4b:s16+s3] =	stream.linear.scatter [tilespmem:s23], [sflag:$0x4], $0x80, $0x38;
	[tilespmem:$0x15A00] =	vst v63  }
0x12f: {  	s17 =	sadd.s32 $0x10, s16;
	s23 =	simm.s32 $0x10F08  }
0x130: {  	[hbm4b:s17+s3] =	stream.linear.scatter [tilespmem:s23], [sflag:$0x4], $0x80, $0x38;
	[tilespmem:$0x15A00] =	vst v63  }
0x131: {  	s17 =	sadd.s32 $0x20, s16;
	s23 =	simm.s32 $0x10F90  }
0x132: {  	[hbm4b:s17+s3] =	stream.linear.scatter [tilespmem:s23], [sflag:$0x4], $0x80, $0x38;
	[tilespmem:$0x15A00] =	vst v63  }
0x133: {  	s17 =	sadd.s32 $0x30, s16;
	s23 =	simm.s32 $0x11018  }
0x134: {  	[hbm4b:s17+s3] =	stream.linear.scatter [tilespmem:s23], [sflag:$0x4], $0x80, $0x38;
	[tilespmem:$0x15A00] =	vst v63  }
0x135: {  	s17 =	sadd.s32 $0x40, s16;
	s23 =	simm.s32 $0x110A0  }
0x136: {  	[hbm4b:s17+s3] =	stream.linear.scatter [tilespmem:s23], [sflag:$0x4], $0x80, $0x38;
	[tilespmem:$0x15A00] =	vst v63  }
0x137: {  	s17 =	sadd.s32 $0x50, s16;
	s23 =	simm.s32 $0x11128  }
0x138: {  	[hbm4b:s17+s3] =	stream.linear.scatter [tilespmem:s23], [sflag:$0x4], $0x80, $0x38;
	[tilespmem:$0x15A00] =	vst v63  }
0x139: {  	s17 =	sadd.s32 $0x60, s16;
	s23 =	simm.s32 $0x111B0  }
0x13a: {  	[hbm4b:s17+s3] =	stream.linear.scatter [tilespmem:s23], [sflag:$0x4], $0x80, $0x38;
	[tilespmem:$0x15A00] =	vst v63  }
0x13b: {  	s16 =	sadd.s32 $0x70, s16;
	s23 =	simm.s32 $0x11238  }
0x13c: {  	[hbm4b:s16+s3] =	stream.linear.scatter [tilespmem:s23], [sflag:$0x4], $0x80, $0x38;
	[tilespmem:$0x15A00] =	vst v63  }
0x13d: {  	s16 =	sadd.s32 s15, s9;
	s23 =	simm.s32 $0x112C0  }
0x13e: {  	[hbm4b:s16+s3] =	stream.linear.scatter [tilespmem:s23], [sflag:$0x4], $0x80, $0x38;
	[tilespmem:$0x15A00] =	vst v63  }
0x13f: {  	s17 =	sadd.s32 $0x10, s16;
	s23 =	simm.s32 $0x11348  }
0x140: {  	[hbm4b:s17+s3] =	stream.linear.scatter [tilespmem:s23], [sflag:$0x4], $0x80, $0x38;
	[tilespmem:$0x15A00] =	vst v63  }
0x141: {  	s17 =	sadd.s32 $0x20, s16;
	s23 =	simm.s32 $0x113D0  }
0x142: {  	[hbm4b:s17+s3] =	stream.linear.scatter [tilespmem:s23], [sflag:$0x4], $0x80, $0x38;
	[tilespmem:$0x15A00] =	vst v63  }
0x143: {  	s17 =	sadd.s32 $0x30, s16;
	s23 =	simm.s32 $0x11458  }
0x144: {  	[hbm4b:s17+s3] =	stream.linear.scatter [tilespmem:s23], [sflag:$0x4], $0x80, $0x38;
	[tilespmem:$0x15A00] =	vst v63  }
0x145: {  	s17 =	sadd.s32 $0x40, s16;
	s23 =	simm.s32 $0x114E0  }
0x146: {  	[hbm4b:s17+s3] =	stream.linear.scatter [tilespmem:s23], [sflag:$0x4], $0x80, $0x38;
	[tilespmem:$0x15A00] =	vst v63  }
0x147: {  	s17 =	sadd.s32 $0x50, s16;
	s23 =	simm.s32 $0x11568  }
0x148: {  	[hbm4b:s17+s3] =	stream.linear.scatter [tilespmem:s23], [sflag:$0x4], $0x80, $0x38;
	[tilespmem:$0x15A00] =	vst v63  }
0x149: {  	s17 =	sadd.s32 $0x60, s16;
	s23 =	simm.s32 $0x115F0  }
0x14a: {  	[hbm4b:s17+s3] =	stream.linear.scatter [tilespmem:s23], [sflag:$0x4], $0x80, $0x38;
	[tilespmem:$0x15A00] =	vst v63  }
0x14b: {  	s16 =	sadd.s32 $0x70, s16;
	s23 =	simm.s32 $0x11678  }
0x14c: {  	[hbm4b:s16+s3] =	stream.linear.scatter [tilespmem:s23], [sflag:$0x4], $0x80, $0x38;
	[tilespmem:$0x15A00] =	vst v63  }
0x14d: {  	s16 =	sadd.s32 s15, s10;
	s23 =	simm.s32 $0x11700  }
0x14e: {  	[hbm4b:s16+s3] =	stream.linear.scatter [tilespmem:s23], [sflag:$0x4], $0x80, $0x38;
	[tilespmem:$0x15A00] =	vst v63  }
0x14f: {  	s17 =	sadd.s32 $0x10, s16;
	s23 =	simm.s32 $0x11788  }
0x150: {  	[hbm4b:s17+s3] =	stream.linear.scatter [tilespmem:s23], [sflag:$0x4], $0x80, $0x38;
	[tilespmem:$0x15A00] =	vst v63  }
0x151: {  	s17 =	sadd.s32 $0x20, s16;
	s23 =	simm.s32 $0x11810  }
0x152: {  	[hbm4b:s17+s3] =	stream.linear.scatter [tilespmem:s23], [sflag:$0x4], $0x80, $0x38;
	[tilespmem:$0x15A00] =	vst v63  }
0x153: {  	s17 =	sadd.s32 $0x30, s16;
	s23 =	simm.s32 $0x11898  }
0x154: {  	[hbm4b:s17+s3] =	stream.linear.scatter [tilespmem:s23], [sflag:$0x4], $0x80, $0x38;
	[tilespmem:$0x15A00] =	vst v63  }
0x155: {  	s17 =	sadd.s32 $0x40, s16;
	s23 =	simm.s32 $0x11920  }
0x156: {  	[hbm4b:s17+s3] =	stream.linear.scatter [tilespmem:s23], [sflag:$0x4], $0x80, $0x38;
	[tilespmem:$0x15A00] =	vst v63  }
0x157: {  	s17 =	sadd.s32 $0x50, s16;
	s23 =	simm.s32 $0x119A8  }
0x158: {  	[hbm4b:s17+s3] =	stream.linear.scatter [tilespmem:s23], [sflag:$0x4], $0x80, $0x38;
	[tilespmem:$0x15A00] =	vst v63  }
0x159: {  	s17 =	sadd.s32 $0x60, s16;
	s23 =	simm.s32 $0x11A30  }
0x15a: {  	[hbm4b:s17+s3] =	stream.linear.scatter [tilespmem:s23], [sflag:$0x4], $0x80, $0x38;
	[tilespmem:$0x15A00] =	vst v63  }
0x15b: {  	s16 =	sadd.s32 $0x70, s16;
	s23 =	simm.s32 $0x11AB8  }
0x15c: {  	[hbm4b:s16+s3] =	stream.linear.scatter [tilespmem:s23], [sflag:$0x4], $0x80, $0x38;
	[tilespmem:$0x15A00] =	vst v63  }
0x15d: {  	s16 =	sadd.s32 s15, s11;
	s23 =	simm.s32 $0x11B40  }
0x15e: {  	[hbm4b:s16+s3] =	stream.linear.scatter [tilespmem:s23], [sflag:$0x4], $0x80, $0x38;
	[tilespmem:$0x15A00] =	vst v63  }
0x15f: {  	s17 =	sadd.s32 $0x10, s16;
	s23 =	simm.s32 $0x11BC8  }
0x160: {  	[hbm4b:s17+s3] =	stream.linear.scatter [tilespmem:s23], [sflag:$0x4], $0x80, $0x38;
	[tilespmem:$0x15A00] =	vst v63  }
0x161: {  	s17 =	sadd.s32 $0x20, s16;
	s23 =	simm.s32 $0x11C50  }
0x162: {  	[hbm4b:s17+s3] =	stream.linear.scatter [tilespmem:s23], [sflag:$0x4], $0x80, $0x38;
	[tilespmem:$0x15A00] =	vst v63  }
0x163: {  	s17 =	sadd.s32 $0x30, s16;
	s23 =	simm.s32 $0x11CD8  }
0x164: {  	[hbm4b:s17+s3] =	stream.linear.scatter [tilespmem:s23], [sflag:$0x4], $0x80, $0x38;
	[tilespmem:$0x15A00] =	vst v63  }
0x165: {  	s17 =	sadd.s32 $0x40, s16;
	s23 =	simm.s32 $0x11D60  }
0x166: {  	[hbm4b:s17+s3] =	stream.linear.scatter [tilespmem:s23], [sflag:$0x4], $0x80, $0x38;
	[tilespmem:$0x15A00] =	vst v63  }
0x167: {  	s17 =	sadd.s32 $0x50, s16;
	s23 =	simm.s32 $0x11DE8  }
0x168: {  	[hbm4b:s17+s3] =	stream.linear.scatter [tilespmem:s23], [sflag:$0x4], $0x80, $0x38;
	[tilespmem:$0x15A00] =	vst v63  }
0x169: {  	s17 =	sadd.s32 $0x60, s16;
	s23 =	simm.s32 $0x11E70  }
0x16a: {  	[hbm4b:s17+s3] =	stream.linear.scatter [tilespmem:s23], [sflag:$0x4], $0x80, $0x38;
	[tilespmem:$0x15A00] =	vst v63  }
0x16b: {  	s16 =	sadd.s32 $0x70, s16;
	s23 =	simm.s32 $0x11EF8  }
0x16c: {  	[hbm4b:s16+s3] =	stream.linear.scatter [tilespmem:s23], [sflag:$0x4], $0x80, $0x38;
	[tilespmem:$0x15A00] =	vst v63  }
0x16d: {  	s16 =	sadd.s32 s15, s12;
	s23 =	simm.s32 $0x11F80  }
0x16e: {  	[hbm4b:s16+s3] =	stream.linear.scatter [tilespmem:s23], [sflag:$0x4], $0x80, $0x38;
	[tilespmem:$0x15A00] =	vst v63  }
0x16f: {  	s17 =	sadd.s32 $0x10, s16;
	s23 =	simm.s32 $0x12008  }
0x170: {  	[hbm4b:s17+s3] =	stream.linear.scatter [tilespmem:s23], [sflag:$0x4], $0x80, $0x38;
	[tilespmem:$0x15A00] =	vst v63  }
0x171: {  	s17 =	sadd.s32 $0x20, s16;
	s23 =	simm.s32 $0x12090  }
0x172: {  	[hbm4b:s17+s3] =	stream.linear.scatter [tilespmem:s23], [sflag:$0x4], $0x80, $0x38;
	[tilespmem:$0x15A00] =	vst v63  }
0x173: {  	s17 =	sadd.s32 $0x30, s16;
	s23 =	simm.s32 $0x12118  }
0x174: {  	[hbm4b:s17+s3] =	stream.linear.scatter [tilespmem:s23], [sflag:$0x4], $0x80, $0x38;
	[tilespmem:$0x15A00] =	vst v63  }
0x175: {  	s17 =	sadd.s32 $0x40, s16;
	s23 =	simm.s32 $0x121A0  }
0x176: {  	[hbm4b:s17+s3] =	stream.linear.scatter [tilespmem:s23], [sflag:$0x4], $0x80, $0x38;
	[tilespmem:$0x15A00] =	vst v63  }
0x177: {  	s23 =	sadd.s32 $0x50, s16  }
0x178: {  	[hbm4b:s23+s3] =	stream.linear.scatter [tilespmem:s24], [sflag:$0x4], $0x80, $0x38;
	[tilespmem:$0x15A00] =	vst v63  }
0x179: {  	s23 =	sadd.s32 $0x60, s16  }
0x17a: {  	[hbm4b:s23+s3] =	stream.linear.scatter [tilespmem:s25], [sflag:$0x4], $0x80, $0x38;
	[tilespmem:$0x15A00] =	vst v63  }
0x17b: {  	s16 =	sadd.s32 $0x70, s16  }
0x17c: {  	[hbm4b:s16+s3] =	stream.linear.scatter [tilespmem:s26], [sflag:$0x4], $0x80, $0x38;
	[tilespmem:$0x15A00] =	vst v63  }
0x17d: {  	s15 =	sadd.s32 s15, s13  }
0x17e: {  	[hbm4b:s15+s3] =	stream.linear.scatter [tilespmem:s28], [sflag:$0x4], $0x80, $0x38;
	[tilespmem:$0x15A00] =	vst v63  }
0x17f: {  	s17 =	sadd.s32 $0x10, s15  }
0x180: {  	[hbm4b:s17+s3] =	stream.linear.scatter [tilespmem:s30], [sflag:$0x4], $0x80, $0x38;
	[tilespmem:$0x15A00] =	vst v63  }
0x181: {  	s23 =	sadd.s32 $0x20, s15  }
0x182: {  	[hbm4b:s23+s3] =	stream.linear.scatter [tilespmem:s31], [sflag:$0x4], $0x80, $0x38;
	[tilespmem:$0x15A00] =	vst v63  }
0x183: {  	s17 =	sadd.s32 $0x30, s15  }
0x184: {  	[hbm4b:s17+s3] =	stream.linear.scatter [tilespmem:s1], [sflag:$0x4], $0x80, $0x38;
	[tilespmem:$0x15A00] =	vst v63  }
0x185: {  	s23 =	sadd.s32 $0x40, s15  }
0x186: {  	[hbm4b:s23+s3] =	stream.linear.scatter [tilespmem:s0], [sflag:$0x4], $0x80, $0x38;
	[tilespmem:$0x15A00] =	vst v63  }
0x187: {  	s17 =	sadd.s32 $0x50, s15  }
0x188: {  	[hbm4b:s17+s3] =	stream.linear.scatter [tilespmem:s18], [sflag:$0x4], $0x80, $0x38;
	[tilespmem:$0x15A00] =	vst v63  }
.Ltmp2:
0x189: {  	_ = 	snop;
	(pc) =	sbr.rel @p1 .LBB2_4-.Ltmp2, $4  }
0x18a: {  	s23 =	sadd.s32 $0x60, s15  }
0x18b: {  	[hbm4b:s23+s3] =	stream.linear.scatter [tilespmem:s20], [sflag:$0x4], $0x80, $0x38;
	[tilespmem:$0x15A00] =	vst v63  }
0x18c: {  	s15 =	sadd.s32 $0x70, s15  }
0x18d: {  	[hbm4b:s15+s3] =	stream.linear.scatter [tilespmem:s5], [sflag:$0x4], $0x80, $0x38;
	[tilespmem:$0x15A00] =	vst v63  }
.Ltmp3:
0x18e: {  	(pc) =	sbr.rel .LBB2_2-.Ltmp3, $4  }
0x18f: {  	_ = 	snop  }
0x190: {  	s15 =	sshra.s32 s14, $0x2;
	s16 =	simm.s32 $0xA400;
	s14 =	sadd.s32 $0x400, s14  }
0x191: {  	s19 =	sadd.s32 $0x100, s19;
	s6 =	sadd.s32 $0x800, s6;
	s15 =	sadd.s32 $0x180, s15  }
0x192: {  	[tilespmem:s16], [sflag:$0x2] =	stream.indirect.gather [hbm4b:s4+s21], $0x80, s15, s21, $0xb8;
	[tilespmem:$0x15A00] =	vst v63  }
.LBB2_5:
0x193: {  	_ =	sfence.sel $0x180000  }
0x194: {  	[bflag:$0x0] =	sbarrier.arrive $0xFFFF  }
0x195: {  	_ =	strace $0x90000047  }
0x196: {  	s0 =	stileid.u32;
	[bflag:$0x2] =	sbarrier.arrive $0xFFFF  }
0x197: {  	p0 =	sne.s32 s0, $0x0;
	s0 =	rddreg [dreg:$0x2]  }
0x198: {  	s0 =	sadd.s32 @!p0 $0x100000, s0  }
0x199: {  	[sflag:s0] =	ssyncadd.tile.s32 @!p0 $0x1;
	_ =	shalt  }
.Lfunc_end2:
_tile_overlayer_lowered:
.L_overlay_start_2:
0x19a: {  	(tag) =	ssettag $0x2  }
0x19b: {  	s0 =	rddreg [dreg:$0x0];
	s2 =	stileid.u32  }
0x19c: {  	s1 =	rddreg [dreg:$0x1];
	p0 =	sne.s32 s2, $0x0  }
0x19d: {  	s3 =	rddreg [dreg:$0x2];
	[bflag:$0x3] =	sbarrier.arrive $0xFFFF;
	s2 =	simm.s32 @!p0 $0x1C05  }
0x19e: {  	[timem:s3], [sflag:s2] =	dma.local @!p0 [hbm:s0], s1  }
0x19f: {  	s0 =	simm.s32 @!p0 $0x5  }
0x1a0: {  	_ =	swait.ge @!p0 [sflag:s0], s1  }
0x1a1: {  	s1 =	ssub.s32 @!p0 $0x0, s1;
	[sflag:s0] =	ssyncset.done @!p0 $0x0  }
0x1a2: {  	[sflag:s0] =	ssyncadd.s32 @!p0 s1  }
0x1a3: {  	[bflag:$0x3] =	sbarrier.arrive $0xFFFF  }
0x1a4: {  	_ =	shalt  }

</sc_bundles>
